<compile_context>
chip_gen: v7x
topology: tpu7x:2x2x1
jax: 0.10.2.dev20260603
libtpu: 0.0.44.dev20260713+nightly
codegen_flags: <defaults>
</compile_context>

<pallas_src>
import numpy as np
import jax
import jax.numpy as jnp
from jax.experimental import pallas as pl
from jax.experimental.pallas import tpu as pltpu

_B, _T, _N, _F = 64, 50, 68, 128
_H = 256
_K = 5
_NP = _N + 2 * _K
_G = _B * _T
_GC = 64
_NCLS = 500
_ND = 2 * _K + 1


def _band_coeffs_np():
    deg = np.array([min(_N - 1, i + _K) - max(0, i - _K) + 1 for i in range(_N)],
                   np.float32)
    dis = (1.0 / np.sqrt(deg)).astype(np.float32)
    band = np.zeros((_ND, _N), np.float32)
    for d in range(_ND):
        for i in range(_N):
            j = i - _K + d
            if 0 <= j < _N:
                band[d, i] = dis[i] * dis[j]
    return band


def _gcn_body(x_ref, band_ref, w0, b0, w1, b1, w2, b2, wih, bih, out_ref, hpad):
    zpad = jnp.zeros((_K, _GC, _F), jnp.float32)
    hpad[0:_K] = zpad
    hpad[_K + _N:_NP] = zpad
    h = x_ref[...]
    for w_ref, b_ref in ((w0, b0), (w1, b1), (w2, b2)):
        hw = jnp.reshape(jnp.reshape(h, (_N * _GC, _F)) @ w_ref[...],
                         (_N, _GC, _F))
        hpad[_K:_K + _N] = hw
        acc = jnp.zeros((_N, _GC, _F), jnp.float32)
        for d in range(_ND):
            acc = acc + band_ref[d][:, None, :] * hpad[d:d + _N]
        h = jnp.maximum(acc + b_ref[...][None], 0.0)
    emb = jnp.sum(h, axis=0) * (1.0 / _N)
    out_ref[...] = emb @ wih[...] + bih[...]


def _gcn(xt, band, w0, b0, w1, b1, w2, b2, wih, bih):
    const2 = lambda i: (0, 0)
    const3 = lambda i: (0, 0, 0)
    return pl.pallas_call(
        _gcn_body,
        grid=(_G // _GC,),
        in_specs=[
            pl.BlockSpec((_N, _GC, _F), lambda i: (0, i, 0)),
            pl.BlockSpec((_ND, _N, _F), const3),
            pl.BlockSpec((_F, _F), const2), pl.BlockSpec((1, _F), const2),
            pl.BlockSpec((_F, _F), const2), pl.BlockSpec((1, _F), const2),
            pl.BlockSpec((_F, _F), const2), pl.BlockSpec((1, _F), const2),
            pl.BlockSpec((_F, 8 * _H), const2),
            pl.BlockSpec((1, 8 * _H), const2),
        ],
        out_specs=pl.BlockSpec((_GC, 8 * _H), lambda i: (i, 0)),
        out_shape=jax.ShapeDtypeStruct((_G, 8 * _H), jnp.float32),
        scratch_shapes=[pltpu.VMEM((_NP, _GC, _F), jnp.float32)],
    )(xt, band, w0, b0, w1, b1, w2, b2, wih, bih)


def _lstm_step(g, h_ref, c_ref, whh_ref):
    g = g + h_ref[...] @ whh_ref[...]
    i = jax.nn.sigmoid(g[:, 0:_H])
    f = jax.nn.sigmoid(g[:, _H:2 * _H])
    gg = jnp.tanh(g[:, 2 * _H:3 * _H])
    o = jax.nn.sigmoid(g[:, 3 * _H:4 * _H])
    c = f * c_ref[...] + i * gg
    h = o * jnp.tanh(c)
    c_ref[...] = c
    h_ref[...] = h
    return h


def _rec0_body(gf_ref, gb_ref, whhf, whhb, outf_ref, outb_ref, hf, cf, hb, cb):
    s = pl.program_id(0)

    @pl.when(s == 0)
    def _init():
        z = jnp.zeros((_B, _H), jnp.float32)
        hf[...] = z
        cf[...] = z
        hb[...] = z
        cb[...] = z

    outf_ref[0] = _lstm_step(gf_ref[0], hf, cf, whhf)
    outb_ref[0] = _lstm_step(gb_ref[0], hb, cb, whhb)


def _rec0(gates, whhf, whhb):
    const2 = lambda s: (0, 0)
    return pl.pallas_call(
        _rec0_body,
        grid=(_T,),
        in_specs=[
            pl.BlockSpec((1, _B, 4 * _H), lambda s: (s, 0, 0)),
            pl.BlockSpec((1, _B, 4 * _H), lambda s: (_T - 1 - s, 0, 1)),
            pl.BlockSpec((_H, 4 * _H), const2),
            pl.BlockSpec((_H, 4 * _H), const2),
        ],
        out_specs=[
            pl.BlockSpec((1, _B, _H), lambda s: (s, 0, 0)),
            pl.BlockSpec((1, _B, _H), lambda s: (_T - 1 - s, 0, 0)),
        ],
        out_shape=[
            jax.ShapeDtypeStruct((_T, _B, _H), jnp.float32),
            jax.ShapeDtypeStruct((_T, _B, _H), jnp.float32),
        ],
        scratch_shapes=[pltpu.VMEM((_B, _H), jnp.float32)] * 4,
    )(gates, gates, whhf, whhb)


def _proj_body(xf_ref, xb_ref, wf_ref, wb_ref, b_ref, o_ref):
    o_ref[...] = (xf_ref[...] @ wf_ref[...] + xb_ref[...] @ wb_ref[...]
                  + b_ref[...])


def _proj(xf2d, xb2d, wf, wb, b, rows_per_step):
    n_in, n_out = wf.shape
    return pl.pallas_call(
        _proj_body,
        grid=(xf2d.shape[0] // rows_per_step,),
        in_specs=[
            pl.BlockSpec((rows_per_step, n_in), lambda i: (i, 0)),
            pl.BlockSpec((rows_per_step, n_in), lambda i: (i, 0)),
            pl.BlockSpec((n_in, n_out), lambda i: (0, 0)),
            pl.BlockSpec((n_in, n_out), lambda i: (0, 0)),
            pl.BlockSpec((1, n_out), lambda i: (0, 0)),
        ],
        out_specs=pl.BlockSpec((rows_per_step, n_out), lambda i: (i, 0)),
        out_shape=jax.ShapeDtypeStruct((xf2d.shape[0], n_out), jnp.float32),
    )(xf2d, xb2d, wf, wb, b)


def _rec1_body(gf_ref, gb_ref, whhf, whhb, w1, b1, w2, b2, out_ref,
               hf, cf, hb, cb):
    s = pl.program_id(0)

    @pl.when(s == 0)
    def _init():
        z = jnp.zeros((_B, _H), jnp.float32)
        hf[...] = z
        cf[...] = z
        hb[...] = z
        cb[...] = z

    hfv = _lstm_step(gf_ref[0], hf, cf, whhf)
    hbv = _lstm_step(gb_ref[0], hb, cb, whhb)

    @pl.when(s == _T - 1)
    def _cls():
        hcat = jnp.concatenate([hfv, hbv], axis=1)
        hid = jnp.maximum(hcat @ w1[...] + b1[...], 0.0)
        out_ref[...] = hid @ w2[...] + b2[...]


def _rec1(gates, whhf, whhb, w1, b1, w2, b2):
    const2 = lambda s: (0, 0)
    return pl.pallas_call(
        _rec1_body,
        grid=(_T,),
        in_specs=[
            pl.BlockSpec((1, _B, 4 * _H), lambda s: (s, 0, 0)),
            pl.BlockSpec((1, _B, 4 * _H), lambda s: (_T - 1 - s, 0, 1)),
            pl.BlockSpec((_H, 4 * _H), const2),
            pl.BlockSpec((_H, 4 * _H), const2),
            pl.BlockSpec((2 * _H, _H), const2),
            pl.BlockSpec((1, _H), const2),
            pl.BlockSpec((_H, _NCLS), const2),
            pl.BlockSpec((1, _NCLS), const2),
        ],
        out_specs=pl.BlockSpec((_B, _NCLS), const2),
        out_shape=jax.ShapeDtypeStruct((_B, _NCLS), jnp.float32),
        scratch_shapes=[pltpu.VMEM((_B, _H), jnp.float32)] * 4,
    )(gates, gates, whhf, whhb, w1, b1, w2, b2)


def kernel(x_temporal, gcn_W0, gcn_b0, gcn_W1, gcn_b1, gcn_W2, gcn_b2,
           lstm_fw_Wih0, lstm_fw_Whh0, lstm_fw_b0,
           lstm_bw_Wih0, lstm_bw_Whh0, lstm_bw_b0,
           lstm_fw_Wih1, lstm_fw_Whh1, lstm_fw_b1,
           lstm_bw_Wih1, lstm_bw_Whh1, lstm_bw_b1,
           cls_W1, cls_b1, cls_W2, cls_b2):
    xt = jnp.transpose(x_temporal, (2, 1, 0, 3)).reshape(_N, _G, _F)

    band = jnp.asarray(np.repeat(_band_coeffs_np()[:, :, None], _F, axis=2))

    wih0 = jnp.concatenate([lstm_fw_Wih0.T, lstm_bw_Wih0.T], axis=1)
    bih0 = jnp.concatenate([lstm_fw_b0, lstm_bw_b0])[None]
    gates0 = _gcn(xt, band, gcn_W0, gcn_b0[None], gcn_W1, gcn_b1[None],
                  gcn_W2, gcn_b2[None], wih0, bih0)
    g0 = gates0.reshape(_T, _B, 8 * _H)

    fw0, bw0 = _rec0(g0, lstm_fw_Whh0.T, lstm_bw_Whh0.T)

    wih1 = jnp.concatenate([lstm_fw_Wih1.T, lstm_bw_Wih1.T], axis=1)
    bih1 = jnp.concatenate([lstm_fw_b1, lstm_bw_b1])[None]
    gates1 = _proj(fw0.reshape(_G, _H), bw0.reshape(_G, _H),
                   wih1[:_H], wih1[_H:], bih1, 400)
    g1 = gates1.reshape(_T, _B, 8 * _H)

    return _rec1(g1, lstm_fw_Whh1.T, lstm_bw_Whh1.T,
                 cls_W1, cls_b1[None], cls_W2, cls_b2[None])

# --- scband reference (transcript-rebuilt; emitter-appended) ---
"""Pipeline reference for scband-combined-model-87393994539279 (READ-ONLY COPY).

The authoritative reference and input builder live on the scoring server;
editing this copy changes nothing except your own understanding.
"""

import jax, jax.numpy as jnp
import numpy as np

B, T, N, F_IN = 64, 50, 68, 128
SP_DIM, SP_LAYERS = 128, 3
TMP_DIM, TMP_LAYERS = 256, 2
N_CLS = 500
K = 5

def _base_edges():
    e = []
    for i in range(N):
        for j in range(max(0, i - K), min(N, i + K + 1)):
            if i != j:
                e.append((i, j))
    return np.array(e, dtype=np.int32).T

def setup_inputs(seed: int = 0):
    key = jax.random.key(seed)
    ki = iter(jax.random.split(key, 64))
    def rn(shape, s=0.05):
        return jax.random.normal(next(ki), shape, jnp.float32) * s
    inp = {"x_temporal": jax.random.normal(next(ki), (B, T, N, F_IN), jnp.float32)}
    dims = [F_IN] + [SP_DIM] * SP_LAYERS
    for l in range(SP_LAYERS):
        inp[f"gcn_W{l}"] = rn((dims[l], dims[l + 1]))
        inp[f"gcn_b{l}"] = jnp.zeros((dims[l + 1],), jnp.float32)
    for l in range(TMP_LAYERS):
        d_in = SP_DIM if l == 0 else 2 * TMP_DIM
        for d in ("fw", "bw"):
            inp[f"lstm_{d}_Wih{l}"] = rn((4 * TMP_DIM, d_in))
            inp[f"lstm_{d}_Whh{l}"] = rn((4 * TMP_DIM, TMP_DIM))
            inp[f"lstm_{d}_b{l}"] = jnp.zeros((4 * TMP_DIM,), jnp.float32)
    inp["cls_W1"] = rn((2 * TMP_DIM, TMP_DIM))
    inp["cls_b1"] = jnp.zeros((TMP_DIM,), jnp.float32)
    inp["cls_W2"] = rn((TMP_DIM, N_CLS))
    inp["cls_b2"] = jnp.zeros((N_CLS,), jnp.float32)
    return inp

def _graph_consts():
    ei = _base_edges()
    loop = np.arange(N, dtype=np.int32)
    src = jnp.asarray(np.concatenate([ei[0], loop]))
    dst = jnp.asarray(np.concatenate([ei[1], loop]))
    deg = jax.ops.segment_sum(jnp.ones(src.shape[0], jnp.float32), dst, num_segments=N)
    deg_isqrt = 1.0 / jnp.sqrt(deg)
    return src, dst, deg_isqrt

def _forward(p, src, dst, deg_isqrt):
    x = p["x_temporal"].reshape(B * T, N, F_IN)
    norm = (deg_isqrt[src] * deg_isqrt[dst])[:, None]
    def gcn_graph(xg):
        h = xg
        for l in range(SP_LAYERS):
            msg = h[src] * norm
            agg = jax.ops.segment_sum(msg, dst, num_segments=N)
            h = jnp.maximum(agg @ p[f"gcn_W{l}"] + p[f"gcn_b{l}"], 0.0)
        return h.mean(axis=0)
    emb = jax.vmap(gcn_graph)(x)
    seq = emb.reshape(B, T, SP_DIM)
    def lstm_dir(xs, Wih, Whh, b, reverse):
        xt = jnp.swapaxes(xs, 0, 1)
        if reverse:
            xt = xt[::-1]
        h0 = jnp.zeros((xs.shape[0], TMP_DIM), jnp.float32)
        c0 = jnp.zeros_like(h0)
        def step(carry, x_t):
            h, c = carry
            g = x_t @ Wih.T + h @ Whh.T + b
            i, f, gg, o = jnp.split(g, 4, axis=-1)
            i = jax.nn.sigmoid(i); f = jax.nn.sigmoid(f)
            gg = jnp.tanh(gg); o = jax.nn.sigmoid(o)
            c = f * c + i * gg
            h = o * jnp.tanh(c)
            return (h, c), h
        (hT, _), hs = jax.lax.scan(step, (h0, c0), xt)
        if reverse:
            hs = hs[::-1]
        return jnp.swapaxes(hs, 0, 1), hT
    h = seq
    fw_hT = bw_hT = None
    for l in range(TMP_LAYERS):
        fw_out, fw_hT = lstm_dir(h, p[f"lstm_fw_Wih{l}"], p[f"lstm_fw_Whh{l}"], p[f"lstm_fw_b{l}"], False)
        bw_out, bw_hT = lstm_dir(h, p[f"lstm_bw_Wih{l}"], p[f"lstm_bw_Whh{l}"], p[f"lstm_bw_b{l}"], True)
        h = jnp.concatenate([fw_out, bw_out], axis=-1)
    temporal_out = jnp.concatenate([fw_hT, bw_hT], axis=-1)
    hid = jnp.maximum(temporal_out @ p["cls_W1"] + p["cls_b1"], 0.0)
    return hid @ p["cls_W2"] + p["cls_b2"]

def reference(x_temporal, gcn_W0, gcn_b0, gcn_W1, gcn_b1, gcn_W2, gcn_b2,
              lstm_fw_Wih0, lstm_fw_Whh0, lstm_fw_b0,
              lstm_bw_Wih0, lstm_bw_Whh0, lstm_bw_b0,
              lstm_fw_Wih1, lstm_fw_Whh1, lstm_fw_b1,
              lstm_bw_Wih1, lstm_bw_Whh1, lstm_bw_b1,
              cls_W1, cls_b1, cls_W2, cls_b2):
    p = dict(locals())
    src, dst, deg_isqrt = _graph_consts()
    return _forward(p, src, dst, deg_isqrt)

if __name__ == "__main__":
    import jax
    _d = setup_inputs()
    print(jax.jit(kernel)(*tuple(_d.values())))

</pallas_src>

<mosaic_0001>
module attributes {stable_mosaic.version = 14 : i64} {
  func.func @_rec0_body(%arg0: i32, %arg1: memref<1x64x1024xf32, #tpu.memory_space<vmem>>, %arg2: memref<1x64x1024xf32, #tpu.memory_space<vmem>>, %arg3: memref<256x1024xf32, #tpu.memory_space<vmem>>, %arg4: memref<256x1024xf32, #tpu.memory_space<vmem>>, %arg5: memref<1x64x256xf32, #tpu.memory_space<vmem>>, %arg6: memref<1x64x256xf32, #tpu.memory_space<vmem>>, %arg7: memref<64x256xf32, #tpu.memory_space<vmem>>, %arg8: memref<64x256xf32, #tpu.memory_space<vmem>>, %arg9: memref<64x256xf32, #tpu.memory_space<vmem>>, %arg10: memref<64x256xf32, #tpu.memory_space<vmem>>) attributes {dimension_semantics = [#tpu.dimension_semantics<arbitrary>], iteration_bounds = array<i64: 50>, scalar_prefetch = 0 : i64, scratch_operands = 4 : i64, tpu.core_type = #tpu.core_type<tc>, window_params = [{transform_indices = @transform_0, window_bounds = array<i64: 1, 64, 1024>}, {transform_indices = @transform_1, window_bounds = array<i64: 1, 64, 1024>}, {pipeline_mode = #tpu.pipeline_mode<synchronous>, transform_indices = @transform_2, window_bounds = array<i64: 256, 1024>}, {pipeline_mode = #tpu.pipeline_mode<synchronous>, transform_indices = @transform_3, window_bounds = array<i64: 256, 1024>}, {transform_indices = @transform_4, window_bounds = array<i64: 1, 64, 256>}, {transform_indices = @transform_5, window_bounds = array<i64: 1, 64, 256>}]} {
    %eq3A = arith.constant 0 : i32
    %eq3A_0 = arith.cmpi eq, %arg0, %eq3A : i32
    %convert_element_type3A = arith.extui %eq3A_0 : i1 to i32
    %cond3A = arith.constant 0 : i32
    %cond3A_1 = arith.cmpi ne, %convert_element_type3A, %cond3A : i32
    scf.if %cond3A_1 {
      %broadcast_in_dim3A = arith.constant 0.000000e+00 : f32
      %broadcast_in_dim3A_108 = vector.broadcast %broadcast_in_dim3A : f32 to vector<64x256xf32>
      %swap3A_109 = arith.constant 0 : index
      %swap3A_110 = arith.constant 0 : index
      %swap3A_111 = vector.load %arg7[%swap3A_109, %swap3A_110] : memref<64x256xf32, #tpu.memory_space<vmem>>, vector<64x256xf32>
      tpu.vector_store %arg7[%swap3A_109, %swap3A_110], %broadcast_in_dim3A_108 {strides = array<i32>} : memref<64x256xf32, #tpu.memory_space<vmem>>, vector<64x256xf32>,
      %swap3A_112 = arith.constant 0 : index
      %swap3A_113 = arith.constant 0 : index
      %swap3A_114 = vector.load %arg8[%swap3A_112, %swap3A_113] : memref<64x256xf32, #tpu.memory_space<vmem>>, vector<64x256xf32>
      tpu.vector_store %arg8[%swap3A_112, %swap3A_113], %broadcast_in_dim3A_108 {strides = array<i32>} : memref<64x256xf32, #tpu.memory_space<vmem>>, vector<64x256xf32>,
      %swap3A_115 = arith.constant 0 : index
      %swap3A_116 = arith.constant 0 : index
      %swap3A_117 = vector.load %arg9[%swap3A_115, %swap3A_116] : memref<64x256xf32, #tpu.memory_space<vmem>>, vector<64x256xf32>
      tpu.vector_store %arg9[%swap3A_115, %swap3A_116], %broadcast_in_dim3A_108 {strides = array<i32>} : memref<64x256xf32, #tpu.memory_space<vmem>>, vector<64x256xf32>,
      %swap3A_118 = arith.constant 0 : index
      %swap3A_119 = arith.constant 0 : index
      %swap3A_120 = vector.load %arg10[%swap3A_118, %swap3A_119] : memref<64x256xf32, #tpu.memory_space<vmem>>, vector<64x256xf32>
      tpu.vector_store %arg10[%swap3A_118, %swap3A_119], %broadcast_in_dim3A_108 {strides = array<i32>} : memref<64x256xf32, #tpu.memory_space<vmem>>, vector<64x256xf32>,
    } else {
    }
    %get3A = arith.constant 0 : index
    %get3A_2 = arith.constant 0 : index
    %get3A_3 = arith.constant 0 : index
    %get3A_4 = vector.load %arg1[%get3A, %get3A_2, %get3A_3] : memref<1x64x1024xf32, #tpu.memory_space<vmem>>, vector<1x64x1024xf32>
    %get3A_5 = vector.shape_cast %get3A_4 : vector<1x64x1024xf32> to vector<64x1024xf32>
    %get3A_6 = arith.constant 0 : index
    %get3A_7 = arith.constant 0 : index
    %get3A_8 = vector.load %arg7[%get3A_6, %get3A_7] : memref<64x256xf32, #tpu.memory_space<vmem>>, vector<64x256xf32>
    %get3A_9 = arith.constant 0 : index
    %get3A_10 = arith.constant 0 : index
    %get3A_11 = vector.load %arg3[%get3A_9, %get3A_10] : memref<256x1024xf32, #tpu.memory_space<vmem>>, vector<256x1024xf32>
    %dot_general3A = arith.constant dense<0.000000e+00> : vector<64x1024xf32>
    %dot_general3A_12 = tpu.matmul %get3A_8, %get3A_11, %dot_general3A {dimension_numbers = #tpu.dot_dimension_numbers<[1], [0], [0], [1], [0, 0, 1, 1], [], []>, transpose_lhs_hint = false} : vector<64x256xf32>, vector<256x1024xf32>, vector<64x1024xf32> -> vector<64x1024xf32>
    %add3A = arith.addf %get3A_5, %dot_general3A_12 : vector<64x1024xf32>
    %slice3A = vector.extract_strided_slice %add3A {offsets = [0, 0], sizes = [64, 256], strides = [1, 1]} : vector<64x1024xf32> to vector<64x256xf32>
    %logistic3A = arith.negf %slice3A : vector<64x256xf32>
    %logistic3A_13 = math.exp %logistic3A : vector<64x256xf32>
    %logistic3A_14 = arith.constant 1.000000e+00 : f32
    %logistic3A_15 = vector.broadcast %logistic3A_14 : f32 to vector<64x256xf32>
    %logistic3A_16 = arith.addf %logistic3A_15, %logistic3A_13 : vector<64x256xf32>
    %logistic3A_17 = arith.divf %logistic3A_15, %logistic3A_16 : vector<64x256xf32>
    %slice3A_18 = vector.extract_strided_slice %add3A {offsets = [0, 256], sizes = [64, 256], strides = [1, 1]} : vector<64x1024xf32> to vector<64x256xf32>
    %logistic3A_19 = arith.negf %slice3A_18 : vector<64x256xf32>
    %logistic3A_20 = math.exp %logistic3A_19 : vector<64x256xf32>
    %logistic3A_21 = arith.constant 1.000000e+00 : f32
    %logistic3A_22 = vector.broadcast %logistic3A_21 : f32 to vector<64x256xf32>
    %logistic3A_23 = arith.addf %logistic3A_22, %logistic3A_20 : vector<64x256xf32>
    %logistic3A_24 = arith.divf %logistic3A_22, %logistic3A_23 : vector<64x256xf32>
    %slice3A_25 = vector.extract_strided_slice %add3A {offsets = [0, 512], sizes = [64, 256], strides = [1, 1]} : vector<64x1024xf32> to vector<64x256xf32>
    %tanh3A = math.tanh %slice3A_25 : vector<64x256xf32>
    %slice3A_26 = vector.extract_strided_slice %add3A {offsets = [0, 768], sizes = [64, 256], strides = [1, 1]} : vector<64x1024xf32> to vector<64x256xf32>
    %logistic3A_27 = arith.negf %slice3A_26 : vector<64x256xf32>
    %logistic3A_28 = math.exp %logistic3A_27 : vector<64x256xf32>
    %logistic3A_29 = arith.constant 1.000000e+00 : f32
    %logistic3A_30 = vector.broadcast %logistic3A_29 : f32 to vector<64x256xf32>
    %logistic3A_31 = arith.addf %logistic3A_30, %logistic3A_28 : vector<64x256xf32>
    %logistic3A_32 = arith.divf %logistic3A_30, %logistic3A_31 : vector<64x256xf32>
    %get3A_33 = arith.constant 0 : index
    %get3A_34 = arith.constant 0 : index
    %get3A_35 = vector.load %arg8[%get3A_33, %get3A_34] : memref<64x256xf32, #tpu.memory_space<vmem>>, vector<64x256xf32>
    %mul3A = arith.mulf %logistic3A_24, %get3A_35 : vector<64x256xf32>
    %mul3A_36 = arith.mulf %logistic3A_17, %tanh3A : vector<64x256xf32>
    %add3A_37 = arith.addf %mul3A, %mul3A_36 : vector<64x256xf32>
    %tanh3A_38 = math.tanh %add3A_37 : vector<64x256xf32>
    %mul3A_39 = arith.mulf %logistic3A_32, %tanh3A_38 : vector<64x256xf32>
    %swap3A = arith.constant 0 : index
    %swap3A_40 = arith.constant 0 : index
    %swap3A_41 = vector.load %arg8[%swap3A, %swap3A_40] : memref<64x256xf32, #tpu.memory_space<vmem>>, vector<64x256xf32>
    tpu.vector_store %arg8[%swap3A, %swap3A_40], %add3A_37 {strides = array<i32>} : memref<64x256xf32, #tpu.memory_space<vmem>>, vector<64x256xf32>,
    %swap3A_42 = arith.constant 0 : index
    %swap3A_43 = arith.constant 0 : index
    %swap3A_44 = vector.load %arg7[%swap3A_42, %swap3A_43] : memref<64x256xf32, #tpu.memory_space<vmem>>, vector<64x256xf32>
    tpu.vector_store %arg7[%swap3A_42, %swap3A_43], %mul3A_39 {strides = array<i32>} : memref<64x256xf32, #tpu.memory_space<vmem>>, vector<64x256xf32>,
    %swap3A_45 = arith.constant 0 : index
    %swap3A_46 = arith.constant 0 : index
    %swap3A_47 = arith.constant 0 : index
    %swap3A_48 = vector.load %arg5[%swap3A_45, %swap3A_46, %swap3A_47] : memref<1x64x256xf32, #tpu.memory_space<vmem>>, vector<1x64x256xf32>
    %swap3A_49 = vector.shape_cast %swap3A_48 : vector<1x64x256xf32> to vector<64x256xf32>
    %swap3A_50 = vector.shape_cast %mul3A_39 : vector<64x256xf32> to vector<1x64x256xf32>
    tpu.vector_store %arg5[%swap3A_45, %swap3A_46, %swap3A_47], %swap3A_50 {strides = array<i32>} : memref<1x64x256xf32, #tpu.memory_space<vmem>>, vector<1x64x256xf32>,
    %get3A_51 = arith.constant 0 : index
    %get3A_52 = arith.constant 0 : index
    %get3A_53 = arith.constant 0 : index
    %get3A_54 = vector.load %arg2[%get3A_51, %get3A_52, %get3A_53] : memref<1x64x1024xf32, #tpu.memory_space<vmem>>, vector<1x64x1024xf32>
    %get3A_55 = vector.shape_cast %get3A_54 : vector<1x64x1024xf32> to vector<64x1024xf32>
    %get3A_56 = arith.constant 0 : index
    %get3A_57 = arith.constant 0 : index
    %get3A_58 = vector.load %arg9[%get3A_56, %get3A_57] : memref<64x256xf32, #tpu.memory_space<vmem>>, vector<64x256xf32>
    %get3A_59 = arith.constant 0 : index
    %get3A_60 = arith.constant 0 : index
    %get3A_61 = vector.load %arg4[%get3A_59, %get3A_60] : memref<256x1024xf32, #tpu.memory_space<vmem>>, vector<256x1024xf32>
    %dot_general3A_62 = arith.constant dense<0.000000e+00> : vector<64x1024xf32>
    %dot_general3A_63 = tpu.matmul %get3A_58, %get3A_61, %dot_general3A_62 {dimension_numbers = #tpu.dot_dimension_numbers<[1], [0], [0], [1], [0, 0, 1, 1], [], []>, transpose_lhs_hint = false} : vector<64x256xf32>, vector<256x1024xf32>, vector<64x1024xf32> -> vector<64x1024xf32>
    %add3A_64 = arith.addf %get3A_55, %dot_general3A_63 : vector<64x1024xf32>
    %slice3A_65 = vector.extract_strided_slice %add3A_64 {offsets = [0, 0], sizes = [64, 256], strides = [1, 1]} : vector<64x1024xf32> to vector<64x256xf32>
    %logistic3A_66 = arith.negf %slice3A_65 : vector<64x256xf32>
    %logistic3A_67 = math.exp %logistic3A_66 : vector<64x256xf32>
    %logistic3A_68 = arith.constant 1.000000e+00 : f32
    %logistic3A_69 = vector.broadcast %logistic3A_68 : f32 to vector<64x256xf32>
    %logistic3A_70 = arith.addf %logistic3A_69, %logistic3A_67 : vector<64x256xf32>
    %logistic3A_71 = arith.divf %logistic3A_69, %logistic3A_70 : vector<64x256xf32>
    %slice3A_72 = vector.extract_strided_slice %add3A_64 {offsets = [0, 256], sizes = [64, 256], strides = [1, 1]} : vector<64x1024xf32> to vector<64x256xf32>
    %logistic3A_73 = arith.negf %slice3A_72 : vector<64x256xf32>
    %logistic3A_74 = math.exp %logistic3A_73 : vector<64x256xf32>
    %logistic3A_75 = arith.constant 1.000000e+00 : f32
    %logistic3A_76 = vector.broadcast %logistic3A_75 : f32 to vector<64x256xf32>
    %logistic3A_77 = arith.addf %logistic3A_76, %logistic3A_74 : vector<64x256xf32>
    %logistic3A_78 = arith.divf %logistic3A_76, %logistic3A_77 : vector<64x256xf32>
    %slice3A_79 = vector.extract_strided_slice %add3A_64 {offsets = [0, 512], sizes = [64, 256], strides = [1, 1]} : vector<64x1024xf32> to vector<64x256xf32>
    %tanh3A_80 = math.tanh %slice3A_79 : vector<64x256xf32>
    %slice3A_81 = vector.extract_strided_slice %add3A_64 {offsets = [0, 768], sizes = [64, 256], strides = [1, 1]} : vector<64x1024xf32> to vector<64x256xf32>
    %logistic3A_82 = arith.negf %slice3A_81 : vector<64x256xf32>
    %logistic3A_83 = math.exp %logistic3A_82 : vector<64x256xf32>
    %logistic3A_84 = arith.constant 1.000000e+00 : f32
    %logistic3A_85 = vector.broadcast %logistic3A_84 : f32 to vector<64x256xf32>
    %logistic3A_86 = arith.addf %logistic3A_85, %logistic3A_83 : vector<64x256xf32>
    %logistic3A_87 = arith.divf %logistic3A_85, %logistic3A_86 : vector<64x256xf32>
    %get3A_88 = arith.constant 0 : index
    %get3A_89 = arith.constant 0 : index
    %get3A_90 = vector.load %arg10[%get3A_88, %get3A_89] : memref<64x256xf32, #tpu.memory_space<vmem>>, vector<64x256xf32>
    %mul3A_91 = arith.mulf %logistic3A_78, %get3A_90 : vector<64x256xf32>
    %mul3A_92 = arith.mulf %logistic3A_71, %tanh3A_80 : vector<64x256xf32>
    %add3A_93 = arith.addf %mul3A_91, %mul3A_92 : vector<64x256xf32>
    %tanh3A_94 = math.tanh %add3A_93 : vector<64x256xf32>
    %mul3A_95 = arith.mulf %logistic3A_87, %tanh3A_94 : vector<64x256xf32>
    %swap3A_96 = arith.constant 0 : index
    %swap3A_97 = arith.constant 0 : index
    %swap3A_98 = vector.load %arg10[%swap3A_96, %swap3A_97] : memref<64x256xf32, #tpu.memory_space<vmem>>, vector<64x256xf32>
    tpu.vector_store %arg10[%swap3A_96, %swap3A_97], %add3A_93 {strides = array<i32>} : memref<64x256xf32, #tpu.memory_space<vmem>>, vector<64x256xf32>,
    %swap3A_99 = arith.constant 0 : index
    %swap3A_100 = arith.constant 0 : index
    %swap3A_101 = vector.load %arg9[%swap3A_99, %swap3A_100] : memref<64x256xf32, #tpu.memory_space<vmem>>, vector<64x256xf32>
    tpu.vector_store %arg9[%swap3A_99, %swap3A_100], %mul3A_95 {strides = array<i32>} : memref<64x256xf32, #tpu.memory_space<vmem>>, vector<64x256xf32>,
    %swap3A_102 = arith.constant 0 : index
    %swap3A_103 = arith.constant 0 : index
    %swap3A_104 = arith.constant 0 : index
    %swap3A_105 = vector.load %arg6[%swap3A_102, %swap3A_103, %swap3A_104] : memref<1x64x256xf32, #tpu.memory_space<vmem>>, vector<1x64x256xf32>
    %swap3A_106 = vector.shape_cast %swap3A_105 : vector<1x64x256xf32> to vector<64x256xf32>
    %swap3A_107 = vector.shape_cast %mul3A_95 : vector<64x256xf32> to vector<1x64x256xf32>
    tpu.vector_store %arg6[%swap3A_102, %swap3A_103, %swap3A_104], %swap3A_107 {strides = array<i32>} : memref<1x64x256xf32, #tpu.memory_space<vmem>>, vector<1x64x256xf32>,
    return
  }
  func.func @transform_0(%arg0: i32) -> (i32, i32, i32) {
    %c0_i32 = arith.constant 0 : i32
    %c0_i32_0 = arith.constant 0 : i32
    %c0_i32_1 = arith.constant 0 : i32
    return %arg0, %c0_i32, %c0_i32_0 : i32, i32, i32
  }
  func.func @transform_1(%arg0: i32) -> (i32, i32, i32) {
    %sub3A = arith.constant 49 : i32
    %sub3A_0 = arith.subi %sub3A, %arg0 : i32
    %c0_i32 = arith.constant 0 : i32
    %c1_i32 = arith.constant 1 : i32
    %c0_i32_1 = arith.constant 0 : i32
    return %sub3A_0, %c0_i32, %c1_i32 : i32, i32, i32
  }
  func.func @transform_2(%arg0: i32) -> (i32, i32) {
    %c0_i32 = arith.constant 0 : i32
    %c0_i32_0 = arith.constant 0 : i32
    %c0_i32_1 = arith.constant 0 : i32
    return %c0_i32, %c0_i32_0 : i32, i32
  }
  func.func @transform_3(%arg0: i32) -> (i32, i32) {
    %c0_i32 = arith.constant 0 : i32
    %c0_i32_0 = arith.constant 0 : i32
    %c0_i32_1 = arith.constant 0 : i32
    return %c0_i32, %c0_i32_0 : i32, i32
  }
  func.func @transform_4(%arg0: i32) -> (i32, i32, i32) {
    %c0_i32 = arith.constant 0 : i32
    %c0_i32_0 = arith.constant 0 : i32
    %c0_i32_1 = arith.constant 0 : i32
    return %arg0, %c0_i32, %c0_i32_0 : i32, i32, i32
  }
  func.func @transform_5(%arg0: i32) -> (i32, i32, i32) {
    %sub3A = arith.constant 49 : i32
    %sub3A_0 = arith.subi %sub3A, %arg0 : i32
    %c0_i32 = arith.constant 0 : i32
    %c0_i32_1 = arith.constant 0 : i32
    %c0_i32_2 = arith.constant 0 : i32
    return %sub3A_0, %c0_i32, %c0_i32_1 : i32, i32, i32
  }
}

module attributes {stable_mosaic.version = 14 : i64} {
  func.func @_gcn_body(%arg0: i32, %arg1: memref<68x64x128xf32, #tpu.memory_space<vmem>>, %arg2: memref<11x68x128xf32, #tpu.memory_space<vmem>>, %arg3: memref<128x128xf32, #tpu.memory_space<vmem>>, %arg4: memref<1x128xf32, #tpu.memory_space<vmem>>, %arg5: memref<128x128xf32, #tpu.memory_space<vmem>>, %arg6: memref<1x128xf32, #tpu.memory_space<vmem>>, %arg7: memref<128x128xf32, #tpu.memory_space<vmem>>, %arg8: memref<1x128xf32, #tpu.memory_space<vmem>>, %arg9: memref<128x2048xf32, #tpu.memory_space<vmem>>, %arg10: memref<1x2048xf32, #tpu.memory_space<vmem>>, %arg11: memref<64x2048xf32, #tpu.memory_space<vmem>>, %arg12: memref<78x64x128xf32, #tpu.memory_space<vmem>>) attributes {dimension_semantics = [#tpu.dimension_semantics<arbitrary>], iteration_bounds = array<i64: 50>, scalar_prefetch = 0 : i64, scratch_operands = 1 : i64, tpu.core_type = #tpu.core_type<tc>, window_params = [{transform_indices = @transform_0, window_bounds = array<i64: 68, 64, 128>}, {pipeline_mode = #tpu.pipeline_mode<synchronous>, transform_indices = @transform_1, window_bounds = array<i64: 11, 68, 128>}, {pipeline_mode = #tpu.pipeline_mode<synchronous>, transform_indices = @transform_2, window_bounds = array<i64: 128, 128>}, {pipeline_mode = #tpu.pipeline_mode<synchronous>, transform_indices = @transform_3, window_bounds = array<i64: 1, 128>}, {pipeline_mode = #tpu.pipeline_mode<synchronous>, transform_indices = @transform_4, window_bounds = array<i64: 128, 128>}, {pipeline_mode = #tpu.pipeline_mode<synchronous>, transform_indices = @transform_5, window_bounds = array<i64: 1, 128>}, {pipeline_mode = #tpu.pipeline_mode<synchronous>, transform_indices = @transform_6, window_bounds = array<i64: 128, 128>}, {pipeline_mode = #tpu.pipeline_mode<synchronous>, transform_indices = @transform_7, window_bounds = array<i64: 1, 128>}, {pipeline_mode = #tpu.pipeline_mode<synchronous>, transform_indices = @transform_8, window_bounds = array<i64: 128, 2048>}, {pipeline_mode = #tpu.pipeline_mode<synchronous>, transform_indices = @transform_9, window_bounds = array<i64: 1, 2048>}, {transform_indices = @transform_10, window_bounds = array<i64: 64, 2048>}]} {
    %broadcast_in_dim3A = arith.constant 0.000000e+00 : f32
    %broadcast_in_dim3A_0 = vector.broadcast %broadcast_in_dim3A : f32 to vector<5x64x128xf32>
    %swap3A = arith.constant 0 : index
    %swap3A_1 = arith.constant 0 : index
    %swap3A_2 = arith.constant 0 : index
    %swap3A_3 = vector.load %arg12[%swap3A, %swap3A_1, %swap3A_2] : memref<78x64x128xf32, #tpu.memory_space<vmem>>, vector<5x64x128xf32>
    tpu.vector_store %arg12[%swap3A, %swap3A_1, %swap3A_2], %broadcast_in_dim3A_0 {strides = array<i32>} : memref<78x64x128xf32, #tpu.memory_space<vmem>>, vector<5x64x128xf32>,
    %swap3A_4 = arith.constant 73 : index
    %swap3A_5 = arith.constant 0 : index
    %swap3A_6 = arith.constant 0 : index
    %swap3A_7 = vector.load %arg12[%swap3A_4, %swap3A_5, %swap3A_6] : memref<78x64x128xf32, #tpu.memory_space<vmem>>, vector<5x64x128xf32>
    tpu.vector_store %arg12[%swap3A_4, %swap3A_5, %swap3A_6], %broadcast_in_dim3A_0 {strides = array<i32>} : memref<78x64x128xf32, #tpu.memory_space<vmem>>, vector<5x64x128xf32>,
    %get3A = arith.constant 0 : index
    %get3A_8 = arith.constant 0 : index
    %get3A_9 = arith.constant 0 : index
    %get3A_10 = vector.load %arg1[%get3A, %get3A_8, %get3A_9] : memref<68x64x128xf32, #tpu.memory_space<vmem>>, vector<68x64x128xf32>
    %reshape3A = vector.shape_cast %get3A_10 : vector<68x64x128xf32> to vector<4352x128xf32>
    %get3A_11 = arith.constant 0 : index
    %get3A_12 = arith.constant 0 : index
    %get3A_13 = vector.load %arg3[%get3A_11, %get3A_12] : memref<128x128xf32, #tpu.memory_space<vmem>>, vector<128x128xf32>
    %dot_general3A = arith.constant dense<0.000000e+00> : vector<4352x128xf32>
    %dot_general3A_14 = tpu.matmul %reshape3A, %get3A_13, %dot_general3A {dimension_numbers = #tpu.dot_dimension_numbers<[1], [0], [0], [1], [0, 0, 1, 1], [], []>, transpose_lhs_hint = false} : vector<4352x128xf32>, vector<128x128xf32>, vector<4352x128xf32> -> vector<4352x128xf32>
    %reshape3A_15 = vector.shape_cast %dot_general3A_14 : vector<4352x128xf32> to vector<68x64x128xf32>
    %swap3A_16 = arith.constant 5 : index
    %swap3A_17 = arith.constant 0 : index
    %swap3A_18 = arith.constant 0 : index
    %swap3A_19 = vector.load %arg12[%swap3A_16, %swap3A_17, %swap3A_18] : memref<78x64x128xf32, #tpu.memory_space<vmem>>, vector<68x64x128xf32>
    tpu.vector_store %arg12[%swap3A_16, %swap3A_17, %swap3A_18], %reshape3A_15 {strides = array<i32>} : memref<78x64x128xf32, #tpu.memory_space<vmem>>, vector<68x64x128xf32>,
    %broadcast_in_dim3A_20 = arith.constant 0.000000e+00 : f32
    %broadcast_in_dim3A_21 = vector.broadcast %broadcast_in_dim3A_20 : f32 to vector<68x64x128xf32>
    %get3A_22 = arith.constant 0 : index
    %get3A_23 = arith.constant 0 : index
    %get3A_24 = arith.constant 0 : index
    %get3A_25 = vector.load %arg2[%get3A_22, %get3A_23, %get3A_24] : memref<11x68x128xf32, #tpu.memory_space<vmem>>, vector<1x68x128xf32>
    %get3A_26 = vector.shape_cast %get3A_25 : vector<1x68x128xf32> to vector<68x128xf32>
    %broadcast_in_dim3A_27 = vector.shape_cast %get3A_26 : vector<68x128xf32> to vector<68x1x128xf32>
    %get3A_28 = arith.constant 0 : index
    %get3A_29 = arith.constant 0 : index
    %get3A_30 = arith.constant 0 : index
    %get3A_31 = vector.load %arg12[%get3A_28, %get3A_29, %get3A_30] : memref<78x64x128xf32, #tpu.memory_space<vmem>>, vector<68x64x128xf32>
    %mul3A = vector.broadcast %broadcast_in_dim3A_27 : vector<68x1x128xf32> to vector<68x64x128xf32>
    %mul3A_32 = arith.mulf %mul3A, %get3A_31 : vector<68x64x128xf32>
    %add3A = arith.addf %broadcast_in_dim3A_21, %mul3A_32 : vector<68x64x128xf32>
    %get3A_33 = arith.constant 1 : index
    %get3A_34 = arith.constant 0 : index
    %get3A_35 = arith.constant 0 : index
    %get3A_36 = vector.load %arg2[%get3A_33, %get3A_34, %get3A_35] : memref<11x68x128xf32, #tpu.memory_space<vmem>>, vector<1x68x128xf32>
    %get3A_37 = vector.shape_cast %get3A_36 : vector<1x68x128xf32> to vector<68x128xf32>
    %broadcast_in_dim3A_38 = vector.shape_cast %get3A_37 : vector<68x128xf32> to vector<68x1x128xf32>
    %get3A_39 = arith.constant 1 : index
    %get3A_40 = arith.constant 0 : index
    %get3A_41 = arith.constant 0 : index
    %get3A_42 = vector.load %arg12[%get3A_39, %get3A_40, %get3A_41] : memref<78x64x128xf32, #tpu.memory_space<vmem>>, vector<68x64x128xf32>
    %mul3A_43 = vector.broadcast %broadcast_in_dim3A_38 : vector<68x1x128xf32> to vector<68x64x128xf32>
    %mul3A_44 = arith.mulf %mul3A_43, %get3A_42 : vector<68x64x128xf32>
    %add3A_45 = arith.addf %add3A, %mul3A_44 : vector<68x64x128xf32>
    %get3A_46 = arith.constant 2 : index
    %get3A_47 = arith.constant 0 : index
    %get3A_48 = arith.constant 0 : index
    %get3A_49 = vector.load %arg2[%get3A_46, %get3A_47, %get3A_48] : memref<11x68x128xf32, #tpu.memory_space<vmem>>, vector<1x68x128xf32>
    %get3A_50 = vector.shape_cast %get3A_49 : vector<1x68x128xf32> to vector<68x128xf32>
    %broadcast_in_dim3A_51 = vector.shape_cast %get3A_50 : vector<68x128xf32> to vector<68x1x128xf32>
    %get3A_52 = arith.constant 2 : index
    %get3A_53 = arith.constant 0 : index
    %get3A_54 = arith.constant 0 : index
    %get3A_55 = vector.load %arg12[%get3A_52, %get3A_53, %get3A_54] : memref<78x64x128xf32, #tpu.memory_space<vmem>>, vector<68x64x128xf32>
    %mul3A_56 = vector.broadcast %broadcast_in_dim3A_51 : vector<68x1x128xf32> to vector<68x64x128xf32>
    %mul3A_57 = arith.mulf %mul3A_56, %get3A_55 : vector<68x64x128xf32>
    %add3A_58 = arith.addf %add3A_45, %mul3A_57 : vector<68x64x128xf32>
    %get3A_59 = arith.constant 3 : index
    %get3A_60 = arith.constant 0 : index
    %get3A_61 = arith.constant 0 : index
    %get3A_62 = vector.load %arg2[%get3A_59, %get3A_60, %get3A_61] : memref<11x68x128xf32, #tpu.memory_space<vmem>>, vector<1x68x128xf32>
    %get3A_63 = vector.shape_cast %get3A_62 : vector<1x68x128xf32> to vector<68x128xf32>
    %broadcast_in_dim3A_64 = vector.shape_cast %get3A_63 : vector<68x128xf32> to vector<68x1x128xf32>
    %get3A_65 = arith.constant 3 : index
    %get3A_66 = arith.constant 0 : index
    %get3A_67 = arith.constant 0 : index
    %get3A_68 = vector.load %arg12[%get3A_65, %get3A_66, %get3A_67] : memref<78x64x128xf32, #tpu.memory_space<vmem>>, vector<68x64x128xf32>
    %mul3A_69 = vector.broadcast %broadcast_in_dim3A_64 : vector<68x1x128xf32> to vector<68x64x128xf32>
    %mul3A_70 = arith.mulf %mul3A_69, %get3A_68 : vector<68x64x128xf32>
    %add3A_71 = arith.addf %add3A_58, %mul3A_70 : vector<68x64x128xf32>
    %get3A_72 = arith.constant 4 : index
    %get3A_73 = arith.constant 0 : index
    %get3A_74 = arith.constant 0 : index
    %get3A_75 = vector.load %arg2[%get3A_72, %get3A_73, %get3A_74] : memref<11x68x128xf32, #tpu.memory_space<vmem>>, vector<1x68x128xf32>
    %get3A_76 = vector.shape_cast %get3A_75 : vector<1x68x128xf32> to vector<68x128xf32>
    %broadcast_in_dim3A_77 = vector.shape_cast %get3A_76 : vector<68x128xf32> to vector<68x1x128xf32>
    %get3A_78 = arith.constant 4 : index
    %get3A_79 = arith.constant 0 : index
    %get3A_80 = arith.constant 0 : index
    %get3A_81 = vector.load %arg12[%get3A_78, %get3A_79, %get3A_80] : memref<78x64x128xf32, #tpu.memory_space<vmem>>, vector<68x64x128xf32>
    %mul3A_82 = vector.broadcast %broadcast_in_dim3A_77 : vector<68x1x128xf32> to vector<68x64x128xf32>
    %mul3A_83 = arith.mulf %mul3A_82, %get3A_81 : vector<68x64x128xf32>
    %add3A_84 = arith.addf %add3A_71, %mul3A_83 : vector<68x64x128xf32>
    %get3A_85 = arith.constant 5 : index
    %get3A_86 = arith.constant 0 : index
    %get3A_87 = arith.constant 0 : index
    %get3A_88 = vector.load %arg2[%get3A_85, %get3A_86, %get3A_87] : memref<11x68x128xf32, #tpu.memory_space<vmem>>, vector<1x68x128xf32>
    %get3A_89 = vector.shape_cast %get3A_88 : vector<1x68x128xf32> to vector<68x128xf32>
    %broadcast_in_dim3A_90 = vector.shape_cast %get3A_89 : vector<68x128xf32> to vector<68x1x128xf32>
    %get3A_91 = arith.constant 5 : index
    %get3A_92 = arith.constant 0 : index
    %get3A_93 = arith.constant 0 : index
    %get3A_94 = vector.load %arg12[%get3A_91, %get3A_92, %get3A_93] : memref<78x64x128xf32, #tpu.memory_space<vmem>>, vector<68x64x128xf32>
    %mul3A_95 = vector.broadcast %broadcast_in_dim3A_90 : vector<68x1x128xf32> to vector<68x64x128xf32>
    %mul3A_96 = arith.mulf %mul3A_95, %get3A_94 : vector<68x64x128xf32>
    %add3A_97 = arith.addf %add3A_84, %mul3A_96 : vector<68x64x128xf32>
    %get3A_98 = arith.constant 6 : index
    %get3A_99 = arith.constant 0 : index
    %get3A_100 = arith.constant 0 : index
    %get3A_101 = vector.load %arg2[%get3A_98, %get3A_99, %get3A_100] : memref<11x68x128xf32, #tpu.memory_space<vmem>>, vector<1x68x128xf32>
    %get3A_102 = vector.shape_cast %get3A_101 : vector<1x68x128xf32> to vector<68x128xf32>
    %broadcast_in_dim3A_103 = vector.shape_cast %get3A_102 : vector<68x128xf32> to vector<68x1x128xf32>
    %get3A_104 = arith.constant 6 : index
    %get3A_105 = arith.constant 0 : index
    %get3A_106 = arith.constant 0 : index
    %get3A_107 = vector.load %arg12[%get3A_104, %get3A_105, %get3A_106] : memref<78x64x128xf32, #tpu.memory_space<vmem>>, vector<68x64x128xf32>
    %mul3A_108 = vector.broadcast %broadcast_in_dim3A_103 : vector<68x1x128xf32> to vector<68x64x128xf32>
    %mul3A_109 = arith.mulf %mul3A_108, %get3A_107 : vector<68x64x128xf32>
    %add3A_110 = arith.addf %add3A_97, %mul3A_109 : vector<68x64x128xf32>
    %get3A_111 = arith.constant 7 : index
    %get3A_112 = arith.constant 0 : index
    %get3A_113 = arith.constant 0 : index
    %get3A_114 = vector.load %arg2[%get3A_111, %get3A_112, %get3A_113] : memref<11x68x128xf32, #tpu.memory_space<vmem>>, vector<1x68x128xf32>
    %get3A_115 = vector.shape_cast %get3A_114 : vector<1x68x128xf32> to vector<68x128xf32>
    %broadcast_in_dim3A_116 = vector.shape_cast %get3A_115 : vector<68x128xf32> to vector<68x1x128xf32>
    %get3A_117 = arith.constant 7 : index
    %get3A_118 = arith.constant 0 : index
    %get3A_119 = arith.constant 0 : index
    %get3A_120 = vector.load %arg12[%get3A_117, %get3A_118, %get3A_119] : memref<78x64x128xf32, #tpu.memory_space<vmem>>, vector<68x64x128xf32>
    %mul3A_121 = vector.broadcast %broadcast_in_dim3A_116 : vector<68x1x128xf32> to vector<68x64x128xf32>
    %mul3A_122 = arith.mulf %mul3A_121, %get3A_120 : vector<68x64x128xf32>
    %add3A_123 = arith.addf %add3A_110, %mul3A_122 : vector<68x64x128xf32>
    %get3A_124 = arith.constant 8 : index
    %get3A_125 = arith.constant 0 : index
    %get3A_126 = arith.constant 0 : index
    %get3A_127 = vector.load %arg2[%get3A_124, %get3A_125, %get3A_126] : memref<11x68x128xf32, #tpu.memory_space<vmem>>, vector<1x68x128xf32>
    %get3A_128 = vector.shape_cast %get3A_127 : vector<1x68x128xf32> to vector<68x128xf32>
    %broadcast_in_dim3A_129 = vector.shape_cast %get3A_128 : vector<68x128xf32> to vector<68x1x128xf32>
    %get3A_130 = arith.constant 8 : index
    %get3A_131 = arith.constant 0 : index
    %get3A_132 = arith.constant 0 : index
    %get3A_133 = vector.load %arg12[%get3A_130, %get3A_131, %get3A_132] : memref<78x64x128xf32, #tpu.memory_space<vmem>>, vector<68x64x128xf32>
    %mul3A_134 = vector.broadcast %broadcast_in_dim3A_129 : vector<68x1x128xf32> to vector<68x64x128xf32>
    %mul3A_135 = arith.mulf %mul3A_134, %get3A_133 : vector<68x64x128xf32>
    %add3A_136 = arith.addf %add3A_123, %mul3A_135 : vector<68x64x128xf32>
    %get3A_137 = arith.constant 9 : index
    %get3A_138 = arith.constant 0 : index
    %get3A_139 = arith.constant 0 : index
    %get3A_140 = vector.load %arg2[%get3A_137, %get3A_138, %get3A_139] : memref<11x68x128xf32, #tpu.memory_space<vmem>>, vector<1x68x128xf32>
    %get3A_141 = vector.shape_cast %get3A_140 : vector<1x68x128xf32> to vector<68x128xf32>
    %broadcast_in_dim3A_142 = vector.shape_cast %get3A_141 : vector<68x128xf32> to vector<68x1x128xf32>
    %get3A_143 = arith.constant 9 : index
    %get3A_144 = arith.constant 0 : index
    %get3A_145 = arith.constant 0 : index
    %get3A_146 = vector.load %arg12[%get3A_143, %get3A_144, %get3A_145] : memref<78x64x128xf32, #tpu.memory_space<vmem>>, vector<68x64x128xf32>
    %mul3A_147 = vector.broadcast %broadcast_in_dim3A_142 : vector<68x1x128xf32> to vector<68x64x128xf32>
    %mul3A_148 = arith.mulf %mul3A_147, %get3A_146 : vector<68x64x128xf32>
    %add3A_149 = arith.addf %add3A_136, %mul3A_148 : vector<68x64x128xf32>
    %get3A_150 = arith.constant 10 : index
    %get3A_151 = arith.constant 0 : index
    %get3A_152 = arith.constant 0 : index
    %get3A_153 = vector.load %arg2[%get3A_150, %get3A_151, %get3A_152] : memref<11x68x128xf32, #tpu.memory_space<vmem>>, vector<1x68x128xf32>
    %get3A_154 = vector.shape_cast %get3A_153 : vector<1x68x128xf32> to vector<68x128xf32>
    %broadcast_in_dim3A_155 = vector.shape_cast %get3A_154 : vector<68x128xf32> to vector<68x1x128xf32>
    %get3A_156 = arith.constant 10 : index
    %get3A_157 = arith.constant 0 : index
    %get3A_158 = arith.constant 0 : index
    %get3A_159 = vector.load %arg12[%get3A_156, %get3A_157, %get3A_158] : memref<78x64x128xf32, #tpu.memory_space<vmem>>, vector<68x64x128xf32>
    %mul3A_160 = vector.broadcast %broadcast_in_dim3A_155 : vector<68x1x128xf32> to vector<68x64x128xf32>
    %mul3A_161 = arith.mulf %mul3A_160, %get3A_159 : vector<68x64x128xf32>
    %add3A_162 = arith.addf %add3A_149, %mul3A_161 : vector<68x64x128xf32>
    %get3A_163 = arith.constant 0 : index
    %get3A_164 = arith.constant 0 : index
    %get3A_165 = vector.load %arg4[%get3A_163, %get3A_164] : memref<1x128xf32, #tpu.memory_space<vmem>>, vector<1x128xf32>
    %broadcast_in_dim3A_166 = vector.shape_cast %get3A_165 : vector<1x128xf32> to vector<1x1x128xf32>
    %add3A_167 = vector.broadcast %broadcast_in_dim3A_166 : vector<1x1x128xf32> to vector<68x64x128xf32>
    %add3A_168 = arith.addf %add3A_162, %add3A_167 : vector<68x64x128xf32>
    %max3A = arith.constant 0.000000e+00 : f32
    %max3A_169 = vector.broadcast %max3A : f32 to vector<68x64x128xf32>
    %max3A_170 = arith.maximumf %add3A_168, %max3A_169 : vector<68x64x128xf32>
    %reshape3A_171 = vector.shape_cast %max3A_170 : vector<68x64x128xf32> to vector<4352x128xf32>
    %get3A_172 = arith.constant 0 : index
    %get3A_173 = arith.constant 0 : index
    %get3A_174 = vector.load %arg5[%get3A_172, %get3A_173] : memref<128x128xf32, #tpu.memory_space<vmem>>, vector<128x128xf32>
    %dot_general3A_175 = arith.constant dense<0.000000e+00> : vector<4352x128xf32>
    %dot_general3A_176 = tpu.matmul %reshape3A_171, %get3A_174, %dot_general3A_175 {dimension_numbers = #tpu.dot_dimension_numbers<[1], [0], [0], [1], [0, 0, 1, 1], [], []>, transpose_lhs_hint = false} : vector<4352x128xf32>, vector<128x128xf32>, vector<4352x128xf32> -> vector<4352x128xf32>
    %reshape3A_177 = vector.shape_cast %dot_general3A_176 : vector<4352x128xf32> to vector<68x64x128xf32>
    %swap3A_178 = arith.constant 5 : index
    %swap3A_179 = arith.constant 0 : index
    %swap3A_180 = arith.constant 0 : index
    %swap3A_181 = vector.load %arg12[%swap3A_178, %swap3A_179, %swap3A_180] : memref<78x64x128xf32, #tpu.memory_space<vmem>>, vector<68x64x128xf32>
    tpu.vector_store %arg12[%swap3A_178, %swap3A_179, %swap3A_180], %reshape3A_177 {strides = array<i32>} : memref<78x64x128xf32, #tpu.memory_space<vmem>>, vector<68x64x128xf32>,
    %broadcast_in_dim3A_182 = arith.constant 0.000000e+00 : f32
    %broadcast_in_dim3A_183 = vector.broadcast %broadcast_in_dim3A_182 : f32 to vector<68x64x128xf32>
    %get3A_184 = arith.constant 0 : index
    %get3A_185 = arith.constant 0 : index
    %get3A_186 = arith.constant 0 : index
    %get3A_187 = vector.load %arg2[%get3A_184, %get3A_185, %get3A_186] : memref<11x68x128xf32, #tpu.memory_space<vmem>>, vector<1x68x128xf32>
    %get3A_188 = vector.shape_cast %get3A_187 : vector<1x68x128xf32> to vector<68x128xf32>
    %broadcast_in_dim3A_189 = vector.shape_cast %get3A_188 : vector<68x128xf32> to vector<68x1x128xf32>
    %get3A_190 = arith.constant 0 : index
    %get3A_191 = arith.constant 0 : index
    %get3A_192 = arith.constant 0 : index
    %get3A_193 = vector.load %arg12[%get3A_190, %get3A_191, %get3A_192] : memref<78x64x128xf32, #tpu.memory_space<vmem>>, vector<68x64x128xf32>
    %mul3A_194 = vector.broadcast %broadcast_in_dim3A_189 : vector<68x1x128xf32> to vector<68x64x128xf32>
    %mul3A_195 = arith.mulf %mul3A_194, %get3A_193 : vector<68x64x128xf32>
    %add3A_196 = arith.addf %broadcast_in_dim3A_183, %mul3A_195 : vector<68x64x128xf32>
    %get3A_197 = arith.constant 1 : index
    %get3A_198 = arith.constant 0 : index
    %get3A_199 = arith.constant 0 : index
    %get3A_200 = vector.load %arg2[%get3A_197, %get3A_198, %get3A_199] : memref<11x68x128xf32, #tpu.memory_space<vmem>>, vector<1x68x128xf32>
    %get3A_201 = vector.shape_cast %get3A_200 : vector<1x68x128xf32> to vector<68x128xf32>
    %broadcast_in_dim3A_202 = vector.shape_cast %get3A_201 : vector<68x128xf32> to vector<68x1x128xf32>
    %get3A_203 = arith.constant 1 : index
    %get3A_204 = arith.constant 0 : index
    %get3A_205 = arith.constant 0 : index
    %get3A_206 = vector.load %arg12[%get3A_203, %get3A_204, %get3A_205] : memref<78x64x128xf32, #tpu.memory_space<vmem>>, vector<68x64x128xf32>
    %mul3A_207 = vector.broadcast %broadcast_in_dim3A_202 : vector<68x1x128xf32> to vector<68x64x128xf32>
    %mul3A_208 = arith.mulf %mul3A_207, %get3A_206 : vector<68x64x128xf32>
    %add3A_209 = arith.addf %add3A_196, %mul3A_208 : vector<68x64x128xf32>
    %get3A_210 = arith.constant 2 : index
    %get3A_211 = arith.constant 0 : index
    %get3A_212 = arith.constant 0 : index
    %get3A_213 = vector.load %arg2[%get3A_210, %get3A_211, %get3A_212] : memref<11x68x128xf32, #tpu.memory_space<vmem>>, vector<1x68x128xf32>
    %get3A_214 = vector.shape_cast %get3A_213 : vector<1x68x128xf32> to vector<68x128xf32>
    %broadcast_in_dim3A_215 = vector.shape_cast %get3A_214 : vector<68x128xf32> to vector<68x1x128xf32>
    %get3A_216 = arith.constant 2 : index
    %get3A_217 = arith.constant 0 : index
    %get3A_218 = arith.constant 0 : index
    %get3A_219 = vector.load %arg12[%get3A_216, %get3A_217, %get3A_218] : memref<78x64x128xf32, #tpu.memory_space<vmem>>, vector<68x64x128xf32>
    %mul3A_220 = vector.broadcast %broadcast_in_dim3A_215 : vector<68x1x128xf32> to vector<68x64x128xf32>
    %mul3A_221 = arith.mulf %mul3A_220, %get3A_219 : vector<68x64x128xf32>
    %add3A_222 = arith.addf %add3A_209, %mul3A_221 : vector<68x64x128xf32>
    %get3A_223 = arith.constant 3 : index
    %get3A_224 = arith.constant 0 : index
    %get3A_225 = arith.constant 0 : index
    %get3A_226 = vector.load %arg2[%get3A_223, %get3A_224, %get3A_225] : memref<11x68x128xf32, #tpu.memory_space<vmem>>, vector<1x68x128xf32>
    %get3A_227 = vector.shape_cast %get3A_226 : vector<1x68x128xf32> to vector<68x128xf32>
    %broadcast_in_dim3A_228 = vector.shape_cast %get3A_227 : vector<68x128xf32> to vector<68x1x128xf32>
    %get3A_229 = arith.constant 3 : index
    %get3A_230 = arith.constant 0 : index
    %get3A_231 = arith.constant 0 : index
    %get3A_232 = vector.load %arg12[%get3A_229, %get3A_230, %get3A_231] : memref<78x64x128xf32, #tpu.memory_space<vmem>>, vector<68x64x128xf32>
    %mul3A_233 = vector.broadcast %broadcast_in_dim3A_228 : vector<68x1x128xf32> to vector<68x64x128xf32>
    %mul3A_234 = arith.mulf %mul3A_233, %get3A_232 : vector<68x64x128xf32>
    %add3A_235 = arith.addf %add3A_222, %mul3A_234 : vector<68x64x128xf32>
    %get3A_236 = arith.constant 4 : index
    %get3A_237 = arith.constant 0 : index
    %get3A_238 = arith.constant 0 : index
    %get3A_239 = vector.load %arg2[%get3A_236, %get3A_237, %get3A_238] : memref<11x68x128xf32, #tpu.memory_space<vmem>>, vector<1x68x128xf32>
    %get3A_240 = vector.shape_cast %get3A_239 : vector<1x68x128xf32> to vector<68x128xf32>
    %broadcast_in_dim3A_241 = vector.shape_cast %get3A_240 : vector<68x128xf32> to vector<68x1x128xf32>
    %get3A_242 = arith.constant 4 : index
    %get3A_243 = arith.constant 0 : index
    %get3A_244 = arith.constant 0 : index
    %get3A_245 = vector.load %arg12[%get3A_242, %get3A_243, %get3A_244] : memref<78x64x128xf32, #tpu.memory_space<vmem>>, vector<68x64x128xf32>
    %mul3A_246 = vector.broadcast %broadcast_in_dim3A_241 : vector<68x1x128xf32> to vector<68x64x128xf32>
    %mul3A_247 = arith.mulf %mul3A_246, %get3A_245 : vector<68x64x128xf32>
    %add3A_248 = arith.addf %add3A_235, %mul3A_247 : vector<68x64x128xf32>
    %get3A_249 = arith.constant 5 : index
    %get3A_250 = arith.constant 0 : index
    %get3A_251 = arith.constant 0 : index
    %get3A_252 = vector.load %arg2[%get3A_249, %get3A_250, %get3A_251] : memref<11x68x128xf32, #tpu.memory_space<vmem>>, vector<1x68x128xf32>
    %get3A_253 = vector.shape_cast %get3A_252 : vector<1x68x128xf32> to vector<68x128xf32>
    %broadcast_in_dim3A_254 = vector.shape_cast %get3A_253 : vector<68x128xf32> to vector<68x1x128xf32>
    %get3A_255 = arith.constant 5 : index
    %get3A_256 = arith.constant 0 : index
    %get3A_257 = arith.constant 0 : index
    %get3A_258 = vector.load %arg12[%get3A_255, %get3A_256, %get3A_257] : memref<78x64x128xf32, #tpu.memory_space<vmem>>, vector<68x64x128xf32>
    %mul3A_259 = vector.broadcast %broadcast_in_dim3A_254 : vector<68x1x128xf32> to vector<68x64x128xf32>
    %mul3A_260 = arith.mulf %mul3A_259, %get3A_258 : vector<68x64x128xf32>
    %add3A_261 = arith.addf %add3A_248, %mul3A_260 : vector<68x64x128xf32>
    %get3A_262 = arith.constant 6 : index
    %get3A_263 = arith.constant 0 : index
    %get3A_264 = arith.constant 0 : index
    %get3A_265 = vector.load %arg2[%get3A_262, %get3A_263, %get3A_264] : memref<11x68x128xf32, #tpu.memory_space<vmem>>, vector<1x68x128xf32>
    %get3A_266 = vector.shape_cast %get3A_265 : vector<1x68x128xf32> to vector<68x128xf32>
    %broadcast_in_dim3A_267 = vector.shape_cast %get3A_266 : vector<68x128xf32> to vector<68x1x128xf32>
    %get3A_268 = arith.constant 6 : index
    %get3A_269 = arith.constant 0 : index
    %get3A_270 = arith.constant 0 : index
    %get3A_271 = vector.load %arg12[%get3A_268, %get3A_269, %get3A_270] : memref<78x64x128xf32, #tpu.memory_space<vmem>>, vector<68x64x128xf32>
    %mul3A_272 = vector.broadcast %broadcast_in_dim3A_267 : vector<68x1x128xf32> to vector<68x64x128xf32>
    %mul3A_273 = arith.mulf %mul3A_272, %get3A_271 : vector<68x64x128xf32>
    %add3A_274 = arith.addf %add3A_261, %mul3A_273 : vector<68x64x128xf32>
    %get3A_275 = arith.constant 7 : index
    %get3A_276 = arith.constant 0 : index
    %get3A_277 = arith.constant 0 : index
    %get3A_278 = vector.load %arg2[%get3A_275, %get3A_276, %get3A_277] : memref<11x68x128xf32, #tpu.memory_space<vmem>>, vector<1x68x128xf32>
    %get3A_279 = vector.shape_cast %get3A_278 : vector<1x68x128xf32> to vector<68x128xf32>
    %broadcast_in_dim3A_280 = vector.shape_cast %get3A_279 : vector<68x128xf32> to vector<68x1x128xf32>
    %get3A_281 = arith.constant 7 : index
    %get3A_282 = arith.constant 0 : index
    %get3A_283 = arith.constant 0 : index
    %get3A_284 = vector.load %arg12[%get3A_281, %get3A_282, %get3A_283] : memref<78x64x128xf32, #tpu.memory_space<vmem>>, vector<68x64x128xf32>
    %mul3A_285 = vector.broadcast %broadcast_in_dim3A_280 : vector<68x1x128xf32> to vector<68x64x128xf32>
    %mul3A_286 = arith.mulf %mul3A_285, %get3A_284 : vector<68x64x128xf32>
    %add3A_287 = arith.addf %add3A_274, %mul3A_286 : vector<68x64x128xf32>
    %get3A_288 = arith.constant 8 : index
    %get3A_289 = arith.constant 0 : index
    %get3A_290 = arith.constant 0 : index
    %get3A_291 = vector.load %arg2[%get3A_288, %get3A_289, %get3A_290] : memref<11x68x128xf32, #tpu.memory_space<vmem>>, vector<1x68x128xf32>
    %get3A_292 = vector.shape_cast %get3A_291 : vector<1x68x128xf32> to vector<68x128xf32>
    %broadcast_in_dim3A_293 = vector.shape_cast %get3A_292 : vector<68x128xf32> to vector<68x1x128xf32>
    %get3A_294 = arith.constant 8 : index
    %get3A_295 = arith.constant 0 : index
    %get3A_296 = arith.constant 0 : index
    %get3A_297 = vector.load %arg12[%get3A_294, %get3A_295, %get3A_296] : memref<78x64x128xf32, #tpu.memory_space<vmem>>, vector<68x64x128xf32>
    %mul3A_298 = vector.broadcast %broadcast_in_dim3A_293 : vector<68x1x128xf32> to vector<68x64x128xf32>
    %mul3A_299 = arith.mulf %mul3A_298, %get3A_297 : vector<68x64x128xf32>
    %add3A_300 = arith.addf %add3A_287, %mul3A_299 : vector<68x64x128xf32>
    %get3A_301 = arith.constant 9 : index
    %get3A_302 = arith.constant 0 : index
    %get3A_303 = arith.constant 0 : index
    %get3A_304 = vector.load %arg2[%get3A_301, %get3A_302, %get3A_303] : memref<11x68x128xf32, #tpu.memory_space<vmem>>, vector<1x68x128xf32>
    %get3A_305 = vector.shape_cast %get3A_304 : vector<1x68x128xf32> to vector<68x128xf32>
    %broadcast_in_dim3A_306 = vector.shape_cast %get3A_305 : vector<68x128xf32> to vector<68x1x128xf32>
    %get3A_307 = arith.constant 9 : index
    %get3A_308 = arith.constant 0 : index
    %get3A_309 = arith.constant 0 : index
    %get3A_310 = vector.load %arg12[%get3A_307, %get3A_308, %get3A_309] : memref<78x64x128xf32, #tpu.memory_space<vmem>>, vector<68x64x128xf32>
    %mul3A_311 = vector.broadcast %broadcast_in_dim3A_306 : vector<68x1x128xf32> to vector<68x64x128xf32>
    %mul3A_312 = arith.mulf %mul3A_311, %get3A_310 : vector<68x64x128xf32>
    %add3A_313 = arith.addf %add3A_300, %mul3A_312 : vector<68x64x128xf32>
    %get3A_314 = arith.constant 10 : index
    %get3A_315 = arith.constant 0 : index
    %get3A_316 = arith.constant 0 : index
    %get3A_317 = vector.load %arg2[%get3A_314, %get3A_315, %get3A_316] : memref<11x68x128xf32, #tpu.memory_space<vmem>>, vector<1x68x128xf32>
    %get3A_318 = vector.shape_cast %get3A_317 : vector<1x68x128xf32> to vector<68x128xf32>
    %broadcast_in_dim3A_319 = vector.shape_cast %get3A_318 : vector<68x128xf32> to vector<68x1x128xf32>
    %get3A_320 = arith.constant 10 : index
    %get3A_321 = arith.constant 0 : index
    %get3A_322 = arith.constant 0 : index
    %get3A_323 = vector.load %arg12[%get3A_320, %get3A_321, %get3A_322] : memref<78x64x128xf32, #tpu.memory_space<vmem>>, vector<68x64x128xf32>
    %mul3A_324 = vector.broadcast %broadcast_in_dim3A_319 : vector<68x1x128xf32> to vector<68x64x128xf32>
    %mul3A_325 = arith.mulf %mul3A_324, %get3A_323 : vector<68x64x128xf32>
    %add3A_326 = arith.addf %add3A_313, %mul3A_325 : vector<68x64x128xf32>
    %get3A_327 = arith.constant 0 : index
    %get3A_328 = arith.constant 0 : index
    %get3A_329 = vector.load %arg6[%get3A_327, %get3A_328] : memref<1x128xf32, #tpu.memory_space<vmem>>, vector<1x128xf32>
    %broadcast_in_dim3A_330 = vector.shape_cast %get3A_329 : vector<1x128xf32> to vector<1x1x128xf32>
    %add3A_331 = vector.broadcast %broadcast_in_dim3A_330 : vector<1x1x128xf32> to vector<68x64x128xf32>
    %add3A_332 = arith.addf %add3A_326, %add3A_331 : vector<68x64x128xf32>
    %max3A_333 = arith.constant 0.000000e+00 : f32
    %max3A_334 = vector.broadcast %max3A_333 : f32 to vector<68x64x128xf32>
    %max3A_335 = arith.maximumf %add3A_332, %max3A_334 : vector<68x64x128xf32>
    %reshape3A_336 = vector.shape_cast %max3A_335 : vector<68x64x128xf32> to vector<4352x128xf32>
    %get3A_337 = arith.constant 0 : index
    %get3A_338 = arith.constant 0 : index
    %get3A_339 = vector.load %arg7[%get3A_337, %get3A_338] : memref<128x128xf32, #tpu.memory_space<vmem>>, vector<128x128xf32>
    %dot_general3A_340 = arith.constant dense<0.000000e+00> : vector<4352x128xf32>
    %dot_general3A_341 = tpu.matmul %reshape3A_336, %get3A_339, %dot_general3A_340 {dimension_numbers = #tpu.dot_dimension_numbers<[1], [0], [0], [1], [0, 0, 1, 1], [], []>, transpose_lhs_hint = false} : vector<4352x128xf32>, vector<128x128xf32>, vector<4352x128xf32> -> vector<4352x128xf32>
    %reshape3A_342 = vector.shape_cast %dot_general3A_341 : vector<4352x128xf32> to vector<68x64x128xf32>
    %swap3A_343 = arith.constant 5 : index
    %swap3A_344 = arith.constant 0 : index
    %swap3A_345 = arith.constant 0 : index
    %swap3A_346 = vector.load %arg12[%swap3A_343, %swap3A_344, %swap3A_345] : memref<78x64x128xf32, #tpu.memory_space<vmem>>, vector<68x64x128xf32>
    tpu.vector_store %arg12[%swap3A_343, %swap3A_344, %swap3A_345], %reshape3A_342 {strides = array<i32>} : memref<78x64x128xf32, #tpu.memory_space<vmem>>, vector<68x64x128xf32>,
    %broadcast_in_dim3A_347 = arith.constant 0.000000e+00 : f32
    %broadcast_in_dim3A_348 = vector.broadcast %broadcast_in_dim3A_347 : f32 to vector<68x64x128xf32>
    %get3A_349 = arith.constant 0 : index
    %get3A_350 = arith.constant 0 : index
    %get3A_351 = arith.constant 0 : index
    %get3A_352 = vector.load %arg2[%get3A_349, %get3A_350, %get3A_351] : memref<11x68x128xf32, #tpu.memory_space<vmem>>, vector<1x68x128xf32>
    %get3A_353 = vector.shape_cast %get3A_352 : vector<1x68x128xf32> to vector<68x128xf32>
    %broadcast_in_dim3A_354 = vector.shape_cast %get3A_353 : vector<68x128xf32> to vector<68x1x128xf32>
    %get3A_355 = arith.constant 0 : index
    %get3A_356 = arith.constant 0 : index
    %get3A_357 = arith.constant 0 : index
    %get3A_358 = vector.load %arg12[%get3A_355, %get3A_356, %get3A_357] : memref<78x64x128xf32, #tpu.memory_space<vmem>>, vector<68x64x128xf32>
    %mul3A_359 = vector.broadcast %broadcast_in_dim3A_354 : vector<68x1x128xf32> to vector<68x64x128xf32>
    %mul3A_360 = arith.mulf %mul3A_359, %get3A_358 : vector<68x64x128xf32>
    %add3A_361 = arith.addf %broadcast_in_dim3A_348, %mul3A_360 : vector<68x64x128xf32>
    %get3A_362 = arith.constant 1 : index
    %get3A_363 = arith.constant 0 : index
    %get3A_364 = arith.constant 0 : index
    %get3A_365 = vector.load %arg2[%get3A_362, %get3A_363, %get3A_364] : memref<11x68x128xf32, #tpu.memory_space<vmem>>, vector<1x68x128xf32>
    %get3A_366 = vector.shape_cast %get3A_365 : vector<1x68x128xf32> to vector<68x128xf32>
    %broadcast_in_dim3A_367 = vector.shape_cast %get3A_366 : vector<68x128xf32> to vector<68x1x128xf32>
    %get3A_368 = arith.constant 1 : index
    %get3A_369 = arith.constant 0 : index
    %get3A_370 = arith.constant 0 : index
    %get3A_371 = vector.load %arg12[%get3A_368, %get3A_369, %get3A_370] : memref<78x64x128xf32, #tpu.memory_space<vmem>>, vector<68x64x128xf32>
    %mul3A_372 = vector.broadcast %broadcast_in_dim3A_367 : vector<68x1x128xf32> to vector<68x64x128xf32>
    %mul3A_373 = arith.mulf %mul3A_372, %get3A_371 : vector<68x64x128xf32>
    %add3A_374 = arith.addf %add3A_361, %mul3A_373 : vector<68x64x128xf32>
    %get3A_375 = arith.constant 2 : index
    %get3A_376 = arith.constant 0 : index
    %get3A_377 = arith.constant 0 : index
    %get3A_378 = vector.load %arg2[%get3A_375, %get3A_376, %get3A_377] : memref<11x68x128xf32, #tpu.memory_space<vmem>>, vector<1x68x128xf32>
    %get3A_379 = vector.shape_cast %get3A_378 : vector<1x68x128xf32> to vector<68x128xf32>
    %broadcast_in_dim3A_380 = vector.shape_cast %get3A_379 : vector<68x128xf32> to vector<68x1x128xf32>
    %get3A_381 = arith.constant 2 : index
    %get3A_382 = arith.constant 0 : index
    %get3A_383 = arith.constant 0 : index
    %get3A_384 = vector.load %arg12[%get3A_381, %get3A_382, %get3A_383] : memref<78x64x128xf32, #tpu.memory_space<vmem>>, vector<68x64x128xf32>
    %mul3A_385 = vector.broadcast %broadcast_in_dim3A_380 : vector<68x1x128xf32> to vector<68x64x128xf32>
    %mul3A_386 = arith.mulf %mul3A_385, %get3A_384 : vector<68x64x128xf32>
    %add3A_387 = arith.addf %add3A_374, %mul3A_386 : vector<68x64x128xf32>
    %get3A_388 = arith.constant 3 : index
    %get3A_389 = arith.constant 0 : index
    %get3A_390 = arith.constant 0 : index
    %get3A_391 = vector.load %arg2[%get3A_388, %get3A_389, %get3A_390] : memref<11x68x128xf32, #tpu.memory_space<vmem>>, vector<1x68x128xf32>
    %get3A_392 = vector.shape_cast %get3A_391 : vector<1x68x128xf32> to vector<68x128xf32>
    %broadcast_in_dim3A_393 = vector.shape_cast %get3A_392 : vector<68x128xf32> to vector<68x1x128xf32>
    %get3A_394 = arith.constant 3 : index
    %get3A_395 = arith.constant 0 : index
    %get3A_396 = arith.constant 0 : index
    %get3A_397 = vector.load %arg12[%get3A_394, %get3A_395, %get3A_396] : memref<78x64x128xf32, #tpu.memory_space<vmem>>, vector<68x64x128xf32>
    %mul3A_398 = vector.broadcast %broadcast_in_dim3A_393 : vector<68x1x128xf32> to vector<68x64x128xf32>
    %mul3A_399 = arith.mulf %mul3A_398, %get3A_397 : vector<68x64x128xf32>
    %add3A_400 = arith.addf %add3A_387, %mul3A_399 : vector<68x64x128xf32>
    %get3A_401 = arith.constant 4 : index
    %get3A_402 = arith.constant 0 : index
    %get3A_403 = arith.constant 0 : index
    %get3A_404 = vector.load %arg2[%get3A_401, %get3A_402, %get3A_403] : memref<11x68x128xf32, #tpu.memory_space<vmem>>, vector<1x68x128xf32>
    %get3A_405 = vector.shape_cast %get3A_404 : vector<1x68x128xf32> to vector<68x128xf32>
    %broadcast_in_dim3A_406 = vector.shape_cast %get3A_405 : vector<68x128xf32> to vector<68x1x128xf32>
    %get3A_407 = arith.constant 4 : index
    %get3A_408 = arith.constant 0 : index
    %get3A_409 = arith.constant 0 : index
    %get3A_410 = vector.load %arg12[%get3A_407, %get3A_408, %get3A_409] : memref<78x64x128xf32, #tpu.memory_space<vmem>>, vector<68x64x128xf32>
    %mul3A_411 = vector.broadcast %broadcast_in_dim3A_406 : vector<68x1x128xf32> to vector<68x64x128xf32>
    %mul3A_412 = arith.mulf %mul3A_411, %get3A_410 : vector<68x64x128xf32>
    %add3A_413 = arith.addf %add3A_400, %mul3A_412 : vector<68x64x128xf32>
    %get3A_414 = arith.constant 5 : index
    %get3A_415 = arith.constant 0 : index
    %get3A_416 = arith.constant 0 : index
    %get3A_417 = vector.load %arg2[%get3A_414, %get3A_415, %get3A_416] : memref<11x68x128xf32, #tpu.memory_space<vmem>>, vector<1x68x128xf32>
    %get3A_418 = vector.shape_cast %get3A_417 : vector<1x68x128xf32> to vector<68x128xf32>
    %broadcast_in_dim3A_419 = vector.shape_cast %get3A_418 : vector<68x128xf32> to vector<68x1x128xf32>
    %get3A_420 = arith.constant 5 : index
    %get3A_421 = arith.constant 0 : index
    %get3A_422 = arith.constant 0 : index
    %get3A_423 = vector.load %arg12[%get3A_420, %get3A_421, %get3A_422] : memref<78x64x128xf32, #tpu.memory_space<vmem>>, vector<68x64x128xf32>
    %mul3A_424 = vector.broadcast %broadcast_in_dim3A_419 : vector<68x1x128xf32> to vector<68x64x128xf32>
    %mul3A_425 = arith.mulf %mul3A_424, %get3A_423 : vector<68x64x128xf32>
    %add3A_426 = arith.addf %add3A_413, %mul3A_425 : vector<68x64x128xf32>
    %get3A_427 = arith.constant 6 : index
    %get3A_428 = arith.constant 0 : index
    %get3A_429 = arith.constant 0 : index
    %get3A_430 = vector.load %arg2[%get3A_427, %get3A_428, %get3A_429] : memref<11x68x128xf32, #tpu.memory_space<vmem>>, vector<1x68x128xf32>
    %get3A_431 = vector.shape_cast %get3A_430 : vector<1x68x128xf32> to vector<68x128xf32>
    %broadcast_in_dim3A_432 = vector.shape_cast %get3A_431 : vector<68x128xf32> to vector<68x1x128xf32>
    %get3A_433 = arith.constant 6 : index
    %get3A_434 = arith.constant 0 : index
    %get3A_435 = arith.constant 0 : index
    %get3A_436 = vector.load %arg12[%get3A_433, %get3A_434, %get3A_435] : memref<78x64x128xf32, #tpu.memory_space<vmem>>, vector<68x64x128xf32>
    %mul3A_437 = vector.broadcast %broadcast_in_dim3A_432 : vector<68x1x128xf32> to vector<68x64x128xf32>
    %mul3A_438 = arith.mulf %mul3A_437, %get3A_436 : vector<68x64x128xf32>
    %add3A_439 = arith.addf %add3A_426, %mul3A_438 : vector<68x64x128xf32>
    %get3A_440 = arith.constant 7 : index
    %get3A_441 = arith.constant 0 : index
    %get3A_442 = arith.constant 0 : index
    %get3A_443 = vector.load %arg2[%get3A_440, %get3A_441, %get3A_442] : memref<11x68x128xf32, #tpu.memory_space<vmem>>, vector<1x68x128xf32>
    %get3A_444 = vector.shape_cast %get3A_443 : vector<1x68x128xf32> to vector<68x128xf32>
    %broadcast_in_dim3A_445 = vector.shape_cast %get3A_444 : vector<68x128xf32> to vector<68x1x128xf32>
    %get3A_446 = arith.constant 7 : index
    %get3A_447 = arith.constant 0 : index
    %get3A_448 = arith.constant 0 : index
    %get3A_449 = vector.load %arg12[%get3A_446, %get3A_447, %get3A_448] : memref<78x64x128xf32, #tpu.memory_space<vmem>>, vector<68x64x128xf32>
    %mul3A_450 = vector.broadcast %broadcast_in_dim3A_445 : vector<68x1x128xf32> to vector<68x64x128xf32>
    %mul3A_451 = arith.mulf %mul3A_450, %get3A_449 : vector<68x64x128xf32>
    %add3A_452 = arith.addf %add3A_439, %mul3A_451 : vector<68x64x128xf32>
    %get3A_453 = arith.constant 8 : index
    %get3A_454 = arith.constant 0 : index
    %get3A_455 = arith.constant 0 : index
    %get3A_456 = vector.load %arg2[%get3A_453, %get3A_454, %get3A_455] : memref<11x68x128xf32, #tpu.memory_space<vmem>>, vector<1x68x128xf32>
    %get3A_457 = vector.shape_cast %get3A_456 : vector<1x68x128xf32> to vector<68x128xf32>
    %broadcast_in_dim3A_458 = vector.shape_cast %get3A_457 : vector<68x128xf32> to vector<68x1x128xf32>
    %get3A_459 = arith.constant 8 : index
    %get3A_460 = arith.constant 0 : index
    %get3A_461 = arith.constant 0 : index
    %get3A_462 = vector.load %arg12[%get3A_459, %get3A_460, %get3A_461] : memref<78x64x128xf32, #tpu.memory_space<vmem>>, vector<68x64x128xf32>
    %mul3A_463 = vector.broadcast %broadcast_in_dim3A_458 : vector<68x1x128xf32> to vector<68x64x128xf32>
    %mul3A_464 = arith.mulf %mul3A_463, %get3A_462 : vector<68x64x128xf32>
    %add3A_465 = arith.addf %add3A_452, %mul3A_464 : vector<68x64x128xf32>
    %get3A_466 = arith.constant 9 : index
    %get3A_467 = arith.constant 0 : index
    %get3A_468 = arith.constant 0 : index
    %get3A_469 = vector.load %arg2[%get3A_466, %get3A_467, %get3A_468] : memref<11x68x128xf32, #tpu.memory_space<vmem>>, vector<1x68x128xf32>
    %get3A_470 = vector.shape_cast %get3A_469 : vector<1x68x128xf32> to vector<68x128xf32>
    %broadcast_in_dim3A_471 = vector.shape_cast %get3A_470 : vector<68x128xf32> to vector<68x1x128xf32>
    %get3A_472 = arith.constant 9 : index
    %get3A_473 = arith.constant 0 : index
    %get3A_474 = arith.constant 0 : index
    %get3A_475 = vector.load %arg12[%get3A_472, %get3A_473, %get3A_474] : memref<78x64x128xf32, #tpu.memory_space<vmem>>, vector<68x64x128xf32>
    %mul3A_476 = vector.broadcast %broadcast_in_dim3A_471 : vector<68x1x128xf32> to vector<68x64x128xf32>
    %mul3A_477 = arith.mulf %mul3A_476, %get3A_475 : vector<68x64x128xf32>
    %add3A_478 = arith.addf %add3A_465, %mul3A_477 : vector<68x64x128xf32>
    %get3A_479 = arith.constant 10 : index
    %get3A_480 = arith.constant 0 : index
    %get3A_481 = arith.constant 0 : index
    %get3A_482 = vector.load %arg2[%get3A_479, %get3A_480, %get3A_481] : memref<11x68x128xf32, #tpu.memory_space<vmem>>, vector<1x68x128xf32>
    %get3A_483 = vector.shape_cast %get3A_482 : vector<1x68x128xf32> to vector<68x128xf32>
    %broadcast_in_dim3A_484 = vector.shape_cast %get3A_483 : vector<68x128xf32> to vector<68x1x128xf32>
    %get3A_485 = arith.constant 10 : index
    %get3A_486 = arith.constant 0 : index
    %get3A_487 = arith.constant 0 : index
    %get3A_488 = vector.load %arg12[%get3A_485, %get3A_486, %get3A_487] : memref<78x64x128xf32, #tpu.memory_space<vmem>>, vector<68x64x128xf32>
    %mul3A_489 = vector.broadcast %broadcast_in_dim3A_484 : vector<68x1x128xf32> to vector<68x64x128xf32>
    %mul3A_490 = arith.mulf %mul3A_489, %get3A_488 : vector<68x64x128xf32>
    %add3A_491 = arith.addf %add3A_478, %mul3A_490 : vector<68x64x128xf32>
    %get3A_492 = arith.constant 0 : index
    %get3A_493 = arith.constant 0 : index
    %get3A_494 = vector.load %arg8[%get3A_492, %get3A_493] : memref<1x128xf32, #tpu.memory_space<vmem>>, vector<1x128xf32>
    %broadcast_in_dim3A_495 = vector.shape_cast %get3A_494 : vector<1x128xf32> to vector<1x1x128xf32>
    %add3A_496 = vector.broadcast %broadcast_in_dim3A_495 : vector<1x1x128xf32> to vector<68x64x128xf32>
    %add3A_497 = arith.addf %add3A_491, %add3A_496 : vector<68x64x128xf32>
    %max3A_498 = arith.constant 0.000000e+00 : f32
    %max3A_499 = vector.broadcast %max3A_498 : f32 to vector<68x64x128xf32>
    %max3A_500 = arith.maximumf %add3A_497, %max3A_499 : vector<68x64x128xf32>
    %reduce_sum3A = arith.constant dense<0.000000e+00> : vector<64x128xf32>
    %reduce_sum3A_501 = vector.multi_reduction <add>, %max3A_500, %reduce_sum3A [0] : vector<68x64x128xf32> to vector<64x128xf32>
    %mul3A_502 = arith.constant 0.0147058824 : f32
    %mul3A_503 = vector.broadcast %mul3A_502 : f32 to vector<64x128xf32>
    %mul3A_504 = arith.mulf %reduce_sum3A_501, %mul3A_503 : vector<64x128xf32>
    %get3A_505 = arith.constant 0 : index
    %get3A_506 = arith.constant 0 : index
    %get3A_507 = vector.load %arg9[%get3A_505, %get3A_506] : memref<128x2048xf32, #tpu.memory_space<vmem>>, vector<128x2048xf32>
    %dot_general3A_508 = arith.constant dense<0.000000e+00> : vector<64x2048xf32>
    %dot_general3A_509 = tpu.matmul %mul3A_504, %get3A_507, %dot_general3A_508 {dimension_numbers = #tpu.dot_dimension_numbers<[1], [0], [0], [1], [0, 0, 1, 1], [], []>, transpose_lhs_hint = false} : vector<64x128xf32>, vector<128x2048xf32>, vector<64x2048xf32> -> vector<64x2048xf32>
    %get3A_510 = arith.constant 0 : index
    %get3A_511 = arith.constant 0 : index
    %get3A_512 = vector.load %arg10[%get3A_510, %get3A_511] : memref<1x2048xf32, #tpu.memory_space<vmem>>, vector<1x2048xf32>
    %add3A_513 = vector.broadcast %get3A_512 : vector<1x2048xf32> to vector<64x2048xf32>
    %add3A_514 = arith.addf %dot_general3A_509, %add3A_513 : vector<64x2048xf32>
    %swap3A_515 = arith.constant 0 : index
    %swap3A_516 = arith.constant 0 : index
    %swap3A_517 = vector.load %arg11[%swap3A_515, %swap3A_516] : memref<64x2048xf32, #tpu.memory_space<vmem>>, vector<64x2048xf32>
    tpu.vector_store %arg11[%swap3A_515, %swap3A_516], %add3A_514 {strides = array<i32>} : memref<64x2048xf32, #tpu.memory_space<vmem>>, vector<64x2048xf32>,
    return
  }
  func.func @transform_0(%arg0: i32) -> (i32, i32, i32) {
    %c0_i32 = arith.constant 0 : i32
    %c0_i32_0 = arith.constant 0 : i32
    %c0_i32_1 = arith.constant 0 : i32
    return %c0_i32, %arg0, %c0_i32_0 : i32, i32, i32
  }
  func.func @transform_1(%arg0: i32) -> (i32, i32, i32) {
    %c0_i32 = arith.constant 0 : i32
    %c0_i32_0 = arith.constant 0 : i32
    %c0_i32_1 = arith.constant 0 : i32
    %c0_i32_2 = arith.constant 0 : i32
    return %c0_i32, %c0_i32_0, %c0_i32_1 : i32, i32, i32
  }
  func.func @transform_2(%arg0: i32) -> (i32, i32) {
    %c0_i32 = arith.constant 0 : i32
    %c0_i32_0 = arith.constant 0 : i32
    %c0_i32_1 = arith.constant 0 : i32
    return %c0_i32, %c0_i32_0 : i32, i32
  }
  func.func @transform_3(%arg0: i32) -> (i32, i32) {
    %c0_i32 = arith.constant 0 : i32
    %c0_i32_0 = arith.constant 0 : i32
    %c0_i32_1 = arith.constant 0 : i32
    return %c0_i32, %c0_i32_0 : i32, i32
  }
  func.func @transform_4(%arg0: i32) -> (i32, i32) {
    %c0_i32 = arith.constant 0 : i32
    %c0_i32_0 = arith.constant 0 : i32
    %c0_i32_1 = arith.constant 0 : i32
    return %c0_i32, %c0_i32_0 : i32, i32
  }
  func.func @transform_5(%arg0: i32) -> (i32, i32) {
    %c0_i32 = arith.constant 0 : i32
    %c0_i32_0 = arith.constant 0 : i32
    %c0_i32_1 = arith.constant 0 : i32
    return %c0_i32, %c0_i32_0 : i32, i32
  }
  func.func @transform_6(%arg0: i32) -> (i32, i32) {
    %c0_i32 = arith.constant 0 : i32
    %c0_i32_0 = arith.constant 0 : i32
    %c0_i32_1 = arith.constant 0 : i32
    return %c0_i32, %c0_i32_0 : i32, i32
  }
  func.func @transform_7(%arg0: i32) -> (i32, i32) {
    %c0_i32 = arith.constant 0 : i32
    %c0_i32_0 = arith.constant 0 : i32
    %c0_i32_1 = arith.constant 0 : i32
    return %c0_i32, %c0_i32_0 : i32, i32
  }
  func.func @transform_8(%arg0: i32) -> (i32, i32) {
    %c0_i32 = arith.constant 0 : i32
    %c0_i32_0 = arith.constant 0 : i32
    %c0_i32_1 = arith.constant 0 : i32
    return %c0_i32, %c0_i32_0 : i32, i32
  }
  func.func @transform_9(%arg0: i32) -> (i32, i32) {
    %c0_i32 = arith.constant 0 : i32
    %c0_i32_0 = arith.constant 0 : i32
    %c0_i32_1 = arith.constant 0 : i32
    return %c0_i32, %c0_i32_0 : i32, i32
  }
  func.func @transform_10(%arg0: i32) -> (i32, i32) {
    %c0_i32 = arith.constant 0 : i32
    %c0_i32_0 = arith.constant 0 : i32
    return %arg0, %c0_i32 : i32, i32
  }
}

module attributes {stable_mosaic.version = 14 : i64} {
  func.func @_proj_body(%arg0: i32, %arg1: memref<400x256xf32, #tpu.memory_space<vmem>>, %arg2: memref<400x256xf32, #tpu.memory_space<vmem>>, %arg3: memref<256x2048xf32, #tpu.memory_space<vmem>>, %arg4: memref<256x2048xf32, #tpu.memory_space<vmem>>, %arg5: memref<1x2048xf32, #tpu.memory_space<vmem>>, %arg6: memref<400x2048xf32, #tpu.memory_space<vmem>>) attributes {dimension_semantics = [#tpu.dimension_semantics<arbitrary>], iteration_bounds = array<i64: 8>, scalar_prefetch = 0 : i64, scratch_operands = 0 : i64, tpu.core_type = #tpu.core_type<tc>, window_params = [{transform_indices = @transform_0, window_bounds = array<i64: 400, 256>}, {transform_indices = @transform_1, window_bounds = array<i64: 400, 256>}, {pipeline_mode = #tpu.pipeline_mode<synchronous>, transform_indices = @transform_2, window_bounds = array<i64: 256, 2048>}, {pipeline_mode = #tpu.pipeline_mode<synchronous>, transform_indices = @transform_3, window_bounds = array<i64: 256, 2048>}, {pipeline_mode = #tpu.pipeline_mode<synchronous>, transform_indices = @transform_4, window_bounds = array<i64: 1, 2048>}, {transform_indices = @transform_5, window_bounds = array<i64: 400, 2048>}]} {
    %get3A = arith.constant 0 : index
    %get3A_0 = arith.constant 0 : index
    %get3A_1 = vector.load %arg1[%get3A, %get3A_0] : memref<400x256xf32, #tpu.memory_space<vmem>>, vector<400x256xf32>
    %get3A_2 = arith.constant 0 : index
    %get3A_3 = arith.constant 0 : index
    %get3A_4 = vector.load %arg3[%get3A_2, %get3A_3] : memref<256x2048xf32, #tpu.memory_space<vmem>>, vector<256x2048xf32>
    %dot_general3A = arith.constant dense<0.000000e+00> : vector<400x2048xf32>
    %dot_general3A_5 = tpu.matmul %get3A_1, %get3A_4, %dot_general3A {dimension_numbers = #tpu.dot_dimension_numbers<[1], [0], [0], [1], [0, 0, 1, 1], [], []>, transpose_lhs_hint = false} : vector<400x256xf32>, vector<256x2048xf32>, vector<400x2048xf32> -> vector<400x2048xf32>
    %get3A_6 = arith.constant 0 : index
    %get3A_7 = arith.constant 0 : index
    %get3A_8 = vector.load %arg2[%get3A_6, %get3A_7] : memref<400x256xf32, #tpu.memory_space<vmem>>, vector<400x256xf32>
    %get3A_9 = arith.constant 0 : index
    %get3A_10 = arith.constant 0 : index
    %get3A_11 = vector.load %arg4[%get3A_9, %get3A_10] : memref<256x2048xf32, #tpu.memory_space<vmem>>, vector<256x2048xf32>
    %dot_general3A_12 = arith.constant dense<0.000000e+00> : vector<400x2048xf32>
    %dot_general3A_13 = tpu.matmul %get3A_8, %get3A_11, %dot_general3A_12 {dimension_numbers = #tpu.dot_dimension_numbers<[1], [0], [0], [1], [0, 0, 1, 1], [], []>, transpose_lhs_hint = false} : vector<400x256xf32>, vector<256x2048xf32>, vector<400x2048xf32> -> vector<400x2048xf32>
    %add3A = arith.addf %dot_general3A_5, %dot_general3A_13 : vector<400x2048xf32>
    %get3A_14 = arith.constant 0 : index
    %get3A_15 = arith.constant 0 : index
    %get3A_16 = vector.load %arg5[%get3A_14, %get3A_15] : memref<1x2048xf32, #tpu.memory_space<vmem>>, vector<1x2048xf32>
    %add3A_17 = vector.broadcast %get3A_16 : vector<1x2048xf32> to vector<400x2048xf32>
    %add3A_18 = arith.addf %add3A, %add3A_17 : vector<400x2048xf32>
    %swap3A = arith.constant 0 : index
    %swap3A_19 = arith.constant 0 : index
    %swap3A_20 = vector.load %arg6[%swap3A, %swap3A_19] : memref<400x2048xf32, #tpu.memory_space<vmem>>, vector<400x2048xf32>
    tpu.vector_store %arg6[%swap3A, %swap3A_19], %add3A_18 {strides = array<i32>} : memref<400x2048xf32, #tpu.memory_space<vmem>>, vector<400x2048xf32>,
    return
  }
  func.func @transform_0(%arg0: i32) -> (i32, i32) {
    %c0_i32 = arith.constant 0 : i32
    %c0_i32_0 = arith.constant 0 : i32
    return %arg0, %c0_i32 : i32, i32
  }
  func.func @transform_1(%arg0: i32) -> (i32, i32) {
    %c0_i32 = arith.constant 0 : i32
    %c0_i32_0 = arith.constant 0 : i32
    return %arg0, %c0_i32 : i32, i32
  }
  func.func @transform_2(%arg0: i32) -> (i32, i32) {
    %c0_i32 = arith.constant 0 : i32
    %c0_i32_0 = arith.constant 0 : i32
    %c0_i32_1 = arith.constant 0 : i32
    return %c0_i32, %c0_i32_0 : i32, i32
  }
  func.func @transform_3(%arg0: i32) -> (i32, i32) {
    %c0_i32 = arith.constant 0 : i32
    %c0_i32_0 = arith.constant 0 : i32
    %c0_i32_1 = arith.constant 0 : i32
    return %c0_i32, %c0_i32_0 : i32, i32
  }
  func.func @transform_4(%arg0: i32) -> (i32, i32) {
    %c0_i32 = arith.constant 0 : i32
    %c0_i32_0 = arith.constant 0 : i32
    %c0_i32_1 = arith.constant 0 : i32
    return %c0_i32, %c0_i32_0 : i32, i32
  }
  func.func @transform_5(%arg0: i32) -> (i32, i32) {
    %c0_i32 = arith.constant 0 : i32
    %c0_i32_0 = arith.constant 0 : i32
    return %arg0, %c0_i32 : i32, i32
  }
}

module attributes {stable_mosaic.version = 14 : i64} {
  func.func @_rec1_body(%arg0: i32, %arg1: memref<1x64x1024xf32, #tpu.memory_space<vmem>>, %arg2: memref<1x64x1024xf32, #tpu.memory_space<vmem>>, %arg3: memref<256x1024xf32, #tpu.memory_space<vmem>>, %arg4: memref<256x1024xf32, #tpu.memory_space<vmem>>, %arg5: memref<512x256xf32, #tpu.memory_space<vmem>>, %arg6: memref<1x256xf32, #tpu.memory_space<vmem>>, %arg7: memref<256x500xf32, #tpu.memory_space<vmem>>, %arg8: memref<1x500xf32, #tpu.memory_space<vmem>>, %arg9: memref<64x500xf32, #tpu.memory_space<vmem>>, %arg10: memref<64x256xf32, #tpu.memory_space<vmem>>, %arg11: memref<64x256xf32, #tpu.memory_space<vmem>>, %arg12: memref<64x256xf32, #tpu.memory_space<vmem>>, %arg13: memref<64x256xf32, #tpu.memory_space<vmem>>) attributes {dimension_semantics = [#tpu.dimension_semantics<arbitrary>], iteration_bounds = array<i64: 50>, scalar_prefetch = 0 : i64, scratch_operands = 4 : i64, tpu.core_type = #tpu.core_type<tc>, window_params = [{transform_indices = @transform_0, window_bounds = array<i64: 1, 64, 1024>}, {transform_indices = @transform_1, window_bounds = array<i64: 1, 64, 1024>}, {pipeline_mode = #tpu.pipeline_mode<synchronous>, transform_indices = @transform_2, window_bounds = array<i64: 256, 1024>}, {pipeline_mode = #tpu.pipeline_mode<synchronous>, transform_indices = @transform_3, window_bounds = array<i64: 256, 1024>}, {pipeline_mode = #tpu.pipeline_mode<synchronous>, transform_indices = @transform_4, window_bounds = array<i64: 512, 256>}, {pipeline_mode = #tpu.pipeline_mode<synchronous>, transform_indices = @transform_5, window_bounds = array<i64: 1, 256>}, {pipeline_mode = #tpu.pipeline_mode<synchronous>, transform_indices = @transform_6, window_bounds = array<i64: 256, 500>}, {pipeline_mode = #tpu.pipeline_mode<synchronous>, transform_indices = @transform_7, window_bounds = array<i64: 1, 500>}, {pipeline_mode = #tpu.pipeline_mode<synchronous>, transform_indices = @transform_8, window_bounds = array<i64: 64, 500>}]} {
    %eq3A = arith.constant 0 : i32
    %eq3A_0 = arith.cmpi eq, %arg0, %eq3A : i32
    %convert_element_type3A = arith.extui %eq3A_0 : i1 to i32
    %cond3A = arith.constant 0 : i32
    %cond3A_1 = arith.cmpi ne, %convert_element_type3A, %cond3A : i32
    scf.if %cond3A_1 {
      %broadcast_in_dim3A = arith.constant 0.000000e+00 : f32
      %broadcast_in_dim3A_101 = vector.broadcast %broadcast_in_dim3A : f32 to vector<64x256xf32>
      %swap3A_102 = arith.constant 0 : index
      %swap3A_103 = arith.constant 0 : index
      %swap3A_104 = vector.load %arg10[%swap3A_102, %swap3A_103] : memref<64x256xf32, #tpu.memory_space<vmem>>, vector<64x256xf32>
      tpu.vector_store %arg10[%swap3A_102, %swap3A_103], %broadcast_in_dim3A_101 {strides = array<i32>} : memref<64x256xf32, #tpu.memory_space<vmem>>, vector<64x256xf32>,
      %swap3A_105 = arith.constant 0 : index
      %swap3A_106 = arith.constant 0 : index
      %swap3A_107 = vector.load %arg11[%swap3A_105, %swap3A_106] : memref<64x256xf32, #tpu.memory_space<vmem>>, vector<64x256xf32>
      tpu.vector_store %arg11[%swap3A_105, %swap3A_106], %broadcast_in_dim3A_101 {strides = array<i32>} : memref<64x256xf32, #tpu.memory_space<vmem>>, vector<64x256xf32>,
      %swap3A_108 = arith.constant 0 : index
      %swap3A_109 = arith.constant 0 : index
      %swap3A_110 = vector.load %arg12[%swap3A_108, %swap3A_109] : memref<64x256xf32, #tpu.memory_space<vmem>>, vector<64x256xf32>
      tpu.vector_store %arg12[%swap3A_108, %swap3A_109], %broadcast_in_dim3A_101 {strides = array<i32>} : memref<64x256xf32, #tpu.memory_space<vmem>>, vector<64x256xf32>,
      %swap3A_111 = arith.constant 0 : index
      %swap3A_112 = arith.constant 0 : index
      %swap3A_113 = vector.load %arg13[%swap3A_111, %swap3A_112] : memref<64x256xf32, #tpu.memory_space<vmem>>, vector<64x256xf32>
      tpu.vector_store %arg13[%swap3A_111, %swap3A_112], %broadcast_in_dim3A_101 {strides = array<i32>} : memref<64x256xf32, #tpu.memory_space<vmem>>, vector<64x256xf32>,
    } else {
    }
    %get3A = arith.constant 0 : index
    %get3A_2 = arith.constant 0 : index
    %get3A_3 = arith.constant 0 : index
    %get3A_4 = vector.load %arg1[%get3A, %get3A_2, %get3A_3] : memref<1x64x1024xf32, #tpu.memory_space<vmem>>, vector<1x64x1024xf32>
    %get3A_5 = vector.shape_cast %get3A_4 : vector<1x64x1024xf32> to vector<64x1024xf32>
    %get3A_6 = arith.constant 0 : index
    %get3A_7 = arith.constant 0 : index
    %get3A_8 = vector.load %arg10[%get3A_6, %get3A_7] : memref<64x256xf32, #tpu.memory_space<vmem>>, vector<64x256xf32>
    %get3A_9 = arith.constant 0 : index
    %get3A_10 = arith.constant 0 : index
    %get3A_11 = vector.load %arg3[%get3A_9, %get3A_10] : memref<256x1024xf32, #tpu.memory_space<vmem>>, vector<256x1024xf32>
    %dot_general3A = arith.constant dense<0.000000e+00> : vector<64x1024xf32>
    %dot_general3A_12 = tpu.matmul %get3A_8, %get3A_11, %dot_general3A {dimension_numbers = #tpu.dot_dimension_numbers<[1], [0], [0], [1], [0, 0, 1, 1], [], []>, transpose_lhs_hint = false} : vector<64x256xf32>, vector<256x1024xf32>, vector<64x1024xf32> -> vector<64x1024xf32>
    %add3A = arith.addf %get3A_5, %dot_general3A_12 : vector<64x1024xf32>
    %slice3A = vector.extract_strided_slice %add3A {offsets = [0, 0], sizes = [64, 256], strides = [1, 1]} : vector<64x1024xf32> to vector<64x256xf32>
    %logistic3A = arith.negf %slice3A : vector<64x256xf32>
    %logistic3A_13 = math.exp %logistic3A : vector<64x256xf32>
    %logistic3A_14 = arith.constant 1.000000e+00 : f32
    %logistic3A_15 = vector.broadcast %logistic3A_14 : f32 to vector<64x256xf32>
    %logistic3A_16 = arith.addf %logistic3A_15, %logistic3A_13 : vector<64x256xf32>
    %logistic3A_17 = arith.divf %logistic3A_15, %logistic3A_16 : vector<64x256xf32>
    %slice3A_18 = vector.extract_strided_slice %add3A {offsets = [0, 256], sizes = [64, 256], strides = [1, 1]} : vector<64x1024xf32> to vector<64x256xf32>
    %logistic3A_19 = arith.negf %slice3A_18 : vector<64x256xf32>
    %logistic3A_20 = math.exp %logistic3A_19 : vector<64x256xf32>
    %logistic3A_21 = arith.constant 1.000000e+00 : f32
    %logistic3A_22 = vector.broadcast %logistic3A_21 : f32 to vector<64x256xf32>
    %logistic3A_23 = arith.addf %logistic3A_22, %logistic3A_20 : vector<64x256xf32>
    %logistic3A_24 = arith.divf %logistic3A_22, %logistic3A_23 : vector<64x256xf32>
    %slice3A_25 = vector.extract_strided_slice %add3A {offsets = [0, 512], sizes = [64, 256], strides = [1, 1]} : vector<64x1024xf32> to vector<64x256xf32>
    %tanh3A = math.tanh %slice3A_25 : vector<64x256xf32>
    %slice3A_26 = vector.extract_strided_slice %add3A {offsets = [0, 768], sizes = [64, 256], strides = [1, 1]} : vector<64x1024xf32> to vector<64x256xf32>
    %logistic3A_27 = arith.negf %slice3A_26 : vector<64x256xf32>
    %logistic3A_28 = math.exp %logistic3A_27 : vector<64x256xf32>
    %logistic3A_29 = arith.constant 1.000000e+00 : f32
    %logistic3A_30 = vector.broadcast %logistic3A_29 : f32 to vector<64x256xf32>
    %logistic3A_31 = arith.addf %logistic3A_30, %logistic3A_28 : vector<64x256xf32>
    %logistic3A_32 = arith.divf %logistic3A_30, %logistic3A_31 : vector<64x256xf32>
    %get3A_33 = arith.constant 0 : index
    %get3A_34 = arith.constant 0 : index
    %get3A_35 = vector.load %arg11[%get3A_33, %get3A_34] : memref<64x256xf32, #tpu.memory_space<vmem>>, vector<64x256xf32>
    %mul3A = arith.mulf %logistic3A_24, %get3A_35 : vector<64x256xf32>
    %mul3A_36 = arith.mulf %logistic3A_17, %tanh3A : vector<64x256xf32>
    %add3A_37 = arith.addf %mul3A, %mul3A_36 : vector<64x256xf32>
    %tanh3A_38 = math.tanh %add3A_37 : vector<64x256xf32>
    %mul3A_39 = arith.mulf %logistic3A_32, %tanh3A_38 : vector<64x256xf32>
    %swap3A = arith.constant 0 : index
    %swap3A_40 = arith.constant 0 : index
    %swap3A_41 = vector.load %arg11[%swap3A, %swap3A_40] : memref<64x256xf32, #tpu.memory_space<vmem>>, vector<64x256xf32>
    tpu.vector_store %arg11[%swap3A, %swap3A_40], %add3A_37 {strides = array<i32>} : memref<64x256xf32, #tpu.memory_space<vmem>>, vector<64x256xf32>,
    %swap3A_42 = arith.constant 0 : index
    %swap3A_43 = arith.constant 0 : index
    %swap3A_44 = vector.load %arg10[%swap3A_42, %swap3A_43] : memref<64x256xf32, #tpu.memory_space<vmem>>, vector<64x256xf32>
    tpu.vector_store %arg10[%swap3A_42, %swap3A_43], %mul3A_39 {strides = array<i32>} : memref<64x256xf32, #tpu.memory_space<vmem>>, vector<64x256xf32>,
    %get3A_45 = arith.constant 0 : index
    %get3A_46 = arith.constant 0 : index
    %get3A_47 = arith.constant 0 : index
    %get3A_48 = vector.load %arg2[%get3A_45, %get3A_46, %get3A_47] : memref<1x64x1024xf32, #tpu.memory_space<vmem>>, vector<1x64x1024xf32>
    %get3A_49 = vector.shape_cast %get3A_48 : vector<1x64x1024xf32> to vector<64x1024xf32>
    %get3A_50 = arith.constant 0 : index
    %get3A_51 = arith.constant 0 : index
    %get3A_52 = vector.load %arg12[%get3A_50, %get3A_51] : memref<64x256xf32, #tpu.memory_space<vmem>>, vector<64x256xf32>
    %get3A_53 = arith.constant 0 : index
    %get3A_54 = arith.constant 0 : index
    %get3A_55 = vector.load %arg4[%get3A_53, %get3A_54] : memref<256x1024xf32, #tpu.memory_space<vmem>>, vector<256x1024xf32>
    %dot_general3A_56 = arith.constant dense<0.000000e+00> : vector<64x1024xf32>
    %dot_general3A_57 = tpu.matmul %get3A_52, %get3A_55, %dot_general3A_56 {dimension_numbers = #tpu.dot_dimension_numbers<[1], [0], [0], [1], [0, 0, 1, 1], [], []>, transpose_lhs_hint = false} : vector<64x256xf32>, vector<256x1024xf32>, vector<64x1024xf32> -> vector<64x1024xf32>
    %add3A_58 = arith.addf %get3A_49, %dot_general3A_57 : vector<64x1024xf32>
    %slice3A_59 = vector.extract_strided_slice %add3A_58 {offsets = [0, 0], sizes = [64, 256], strides = [1, 1]} : vector<64x1024xf32> to vector<64x256xf32>
    %logistic3A_60 = arith.negf %slice3A_59 : vector<64x256xf32>
    %logistic3A_61 = math.exp %logistic3A_60 : vector<64x256xf32>
    %logistic3A_62 = arith.constant 1.000000e+00 : f32
    %logistic3A_63 = vector.broadcast %logistic3A_62 : f32 to vector<64x256xf32>
    %logistic3A_64 = arith.addf %logistic3A_63, %logistic3A_61 : vector<64x256xf32>
    %logistic3A_65 = arith.divf %logistic3A_63, %logistic3A_64 : vector<64x256xf32>
    %slice3A_66 = vector.extract_strided_slice %add3A_58 {offsets = [0, 256], sizes = [64, 256], strides = [1, 1]} : vector<64x1024xf32> to vector<64x256xf32>
    %logistic3A_67 = arith.negf %slice3A_66 : vector<64x256xf32>
    %logistic3A_68 = math.exp %logistic3A_67 : vector<64x256xf32>
    %logistic3A_69 = arith.constant 1.000000e+00 : f32
    %logistic3A_70 = vector.broadcast %logistic3A_69 : f32 to vector<64x256xf32>
    %logistic3A_71 = arith.addf %logistic3A_70, %logistic3A_68 : vector<64x256xf32>
    %logistic3A_72 = arith.divf %logistic3A_70, %logistic3A_71 : vector<64x256xf32>
    %slice3A_73 = vector.extract_strided_slice %add3A_58 {offsets = [0, 512], sizes = [64, 256], strides = [1, 1]} : vector<64x1024xf32> to vector<64x256xf32>
    %tanh3A_74 = math.tanh %slice3A_73 : vector<64x256xf32>
    %slice3A_75 = vector.extract_strided_slice %add3A_58 {offsets = [0, 768], sizes = [64, 256], strides = [1, 1]} : vector<64x1024xf32> to vector<64x256xf32>
    %logistic3A_76 = arith.negf %slice3A_75 : vector<64x256xf32>
    %logistic3A_77 = math.exp %logistic3A_76 : vector<64x256xf32>
    %logistic3A_78 = arith.constant 1.000000e+00 : f32
    %logistic3A_79 = vector.broadcast %logistic3A_78 : f32 to vector<64x256xf32>
    %logistic3A_80 = arith.addf %logistic3A_79, %logistic3A_77 : vector<64x256xf32>
    %logistic3A_81 = arith.divf %logistic3A_79, %logistic3A_80 : vector<64x256xf32>
    %get3A_82 = arith.constant 0 : index
    %get3A_83 = arith.constant 0 : index
    %get3A_84 = vector.load %arg13[%get3A_82, %get3A_83] : memref<64x256xf32, #tpu.memory_space<vmem>>, vector<64x256xf32>
    %mul3A_85 = arith.mulf %logistic3A_72, %get3A_84 : vector<64x256xf32>
    %mul3A_86 = arith.mulf %logistic3A_65, %tanh3A_74 : vector<64x256xf32>
    %add3A_87 = arith.addf %mul3A_85, %mul3A_86 : vector<64x256xf32>
    %tanh3A_88 = math.tanh %add3A_87 : vector<64x256xf32>
    %mul3A_89 = arith.mulf %logistic3A_81, %tanh3A_88 : vector<64x256xf32>
    %swap3A_90 = arith.constant 0 : index
    %swap3A_91 = arith.constant 0 : index
    %swap3A_92 = vector.load %arg13[%swap3A_90, %swap3A_91] : memref<64x256xf32, #tpu.memory_space<vmem>>, vector<64x256xf32>
    tpu.vector_store %arg13[%swap3A_90, %swap3A_91], %add3A_87 {strides = array<i32>} : memref<64x256xf32, #tpu.memory_space<vmem>>, vector<64x256xf32>,
    %swap3A_93 = arith.constant 0 : index
    %swap3A_94 = arith.constant 0 : index
    %swap3A_95 = vector.load %arg12[%swap3A_93, %swap3A_94] : memref<64x256xf32, #tpu.memory_space<vmem>>, vector<64x256xf32>
    tpu.vector_store %arg12[%swap3A_93, %swap3A_94], %mul3A_89 {strides = array<i32>} : memref<64x256xf32, #tpu.memory_space<vmem>>, vector<64x256xf32>,
    %eq3A_96 = arith.constant 49 : i32
    %eq3A_97 = arith.cmpi eq, %arg0, %eq3A_96 : i32
    %convert_element_type3A_98 = arith.extui %eq3A_97 : i1 to i32
    %cond3A_99 = arith.constant 0 : i32
    %cond3A_100 = arith.cmpi ne, %convert_element_type3A_98, %cond3A_99 : i32
    scf.if %cond3A_100 {
      %concatenate3A = tpu.concatenate %mul3A_39, %mul3A_89 in 1 : vector<64x256xf32>, vector<64x256xf32> -> vector<64x512xf32>
      %get3A_101 = arith.constant 0 : index
      %get3A_102 = arith.constant 0 : index
      %get3A_103 = vector.load %arg5[%get3A_101, %get3A_102] : memref<512x256xf32, #tpu.memory_space<vmem>>, vector<512x256xf32>
      %dot_general3A_104 = arith.constant dense<0.000000e+00> : vector<64x256xf32>
      %dot_general3A_105 = tpu.matmul %concatenate3A, %get3A_103, %dot_general3A_104 {dimension_numbers = #tpu.dot_dimension_numbers<[1], [0], [0], [1], [0, 0, 1, 1], [], []>, transpose_lhs_hint = false} : vector<64x512xf32>, vector<512x256xf32>, vector<64x256xf32> -> vector<64x256xf32>
      %get3A_106 = arith.constant 0 : index
      %get3A_107 = arith.constant 0 : index
      %get3A_108 = vector.load %arg6[%get3A_106, %get3A_107] : memref<1x256xf32, #tpu.memory_space<vmem>>, vector<1x256xf32>
      %add3A_109 = vector.broadcast %get3A_108 : vector<1x256xf32> to vector<64x256xf32>
      %add3A_110 = arith.addf %dot_general3A_105, %add3A_109 : vector<64x256xf32>
      %max3A = arith.constant 0.000000e+00 : f32
      %max3A_111 = vector.broadcast %max3A : f32 to vector<64x256xf32>
      %max3A_112 = arith.maximumf %add3A_110, %max3A_111 : vector<64x256xf32>
      %get3A_113 = arith.constant 0 : index
      %get3A_114 = arith.constant 0 : index
      %get3A_115 = vector.load %arg7[%get3A_113, %get3A_114] : memref<256x500xf32, #tpu.memory_space<vmem>>, vector<256x500xf32>
      %dot_general3A_116 = arith.constant dense<0.000000e+00> : vector<64x500xf32>
      %dot_general3A_117 = tpu.matmul %max3A_112, %get3A_115, %dot_general3A_116 {dimension_numbers = #tpu.dot_dimension_numbers<[1], [0], [0], [1], [0, 0, 1, 1], [], []>, transpose_lhs_hint = false} : vector<64x256xf32>, vector<256x500xf32>, vector<64x500xf32> -> vector<64x500xf32>
      %get3A_118 = arith.constant 0 : index
      %get3A_119 = arith.constant 0 : index
      %get3A_120 = vector.load %arg8[%get3A_118, %get3A_119] : memref<1x500xf32, #tpu.memory_space<vmem>>, vector<1x500xf32>
      %add3A_121 = vector.broadcast %get3A_120 : vector<1x500xf32> to vector<64x500xf32>
      %add3A_122 = arith.addf %dot_general3A_117, %add3A_121 : vector<64x500xf32>
      %swap3A_123 = arith.constant 0 : index
      %swap3A_124 = arith.constant 0 : index
      %swap3A_125 = vector.load %arg9[%swap3A_123, %swap3A_124] : memref<64x500xf32, #tpu.memory_space<vmem>>, vector<64x500xf32>
      tpu.vector_store %arg9[%swap3A_123, %swap3A_124], %add3A_122 {strides = array<i32>} : memref<64x500xf32, #tpu.memory_space<vmem>>, vector<64x500xf32>,
    } else {
    }
    return
  }
  func.func @transform_0(%arg0: i32) -> (i32, i32, i32) {
    %c0_i32 = arith.constant 0 : i32
    %c0_i32_0 = arith.constant 0 : i32
    %c0_i32_1 = arith.constant 0 : i32
    return %arg0, %c0_i32, %c0_i32_0 : i32, i32, i32
  }
  func.func @transform_1(%arg0: i32) -> (i32, i32, i32) {
    %sub3A = arith.constant 49 : i32
    %sub3A_0 = arith.subi %sub3A, %arg0 : i32
    %c0_i32 = arith.constant 0 : i32
    %c1_i32 = arith.constant 1 : i32
    %c0_i32_1 = arith.constant 0 : i32
    return %sub3A_0, %c0_i32, %c1_i32 : i32, i32, i32
  }
  func.func @transform_2(%arg0: i32) -> (i32, i32) {
    %c0_i32 = arith.constant 0 : i32
    %c0_i32_0 = arith.constant 0 : i32
    %c0_i32_1 = arith.constant 0 : i32
    return %c0_i32, %c0_i32_0 : i32, i32
  }
  func.func @transform_3(%arg0: i32) -> (i32, i32) {
    %c0_i32 = arith.constant 0 : i32
    %c0_i32_0 = arith.constant 0 : i32
    %c0_i32_1 = arith.constant 0 : i32
    return %c0_i32, %c0_i32_0 : i32, i32
  }
  func.func @transform_4(%arg0: i32) -> (i32, i32) {
    %c0_i32 = arith.constant 0 : i32
    %c0_i32_0 = arith.constant 0 : i32
    %c0_i32_1 = arith.constant 0 : i32
    return %c0_i32, %c0_i32_0 : i32, i32
  }
  func.func @transform_5(%arg0: i32) -> (i32, i32) {
    %c0_i32 = arith.constant 0 : i32
    %c0_i32_0 = arith.constant 0 : i32
    %c0_i32_1 = arith.constant 0 : i32
    return %c0_i32, %c0_i32_0 : i32, i32
  }
  func.func @transform_6(%arg0: i32) -> (i32, i32) {
    %c0_i32 = arith.constant 0 : i32
    %c0_i32_0 = arith.constant 0 : i32
    %c0_i32_1 = arith.constant 0 : i32
    return %c0_i32, %c0_i32_0 : i32, i32
  }
  func.func @transform_7(%arg0: i32) -> (i32, i32) {
    %c0_i32 = arith.constant 0 : i32
    %c0_i32_0 = arith.constant 0 : i32
    %c0_i32_1 = arith.constant 0 : i32
    return %c0_i32, %c0_i32_0 : i32, i32
  }
  func.func @transform_8(%arg0: i32) -> (i32, i32) {
    %c0_i32 = arith.constant 0 : i32
    %c0_i32_0 = arith.constant 0 : i32
    %c0_i32_1 = arith.constant 0 : i32
    return %c0_i32, %c0_i32_0 : i32, i32
  }
}

</mosaic_0001>

<sc_bundles>
// kernel: sparse-core-data-format-call.cloned.1.call-start
scs
called_computation_lowered:
.L_overlay_start_0:
0x0: {  	s2 =	sld [smem:$0x3FD9]  }
0x1: {  	s3 =	sld [smem:$0x3FFE];
	_ =	sdelay $0x1  }
0x2: {  	s1 =	srdreg.scid  }
0x3: {  	s0 =	sand.u32 $0x1, s1  }
0x4: {  	s18 =	sshll.u32 s0, $0xA;
	s2 =	sadd.s32 s3, s2  }
0x5: {  	s2 =	sadd.s32 s2, s18  }
0x6: {  	[smem:$0x3FB1] =	sst s2  }
0x7: {  	_ = 	snop  }
0x8: {  	s2 =	sld [smem:$0x3FC9];
	(tm) =	ssettm $0x1  }
0x9: {  	s19 =	sld [smem:$0x3FFB];
	_ =	sdelay $0x3  }
0xa: {  	_ =	strace s19  }
0xb: {  	s3 =	sld [smem:$0x3FFC];
	_ =	sdelay $0x3  }
0xc: {  	_ =	strace s3  }
0xd: {  	s3 =	sld [smem:$0x3FFD];
	_ =	sdelay $0x3  }
0xe: {  	_ =	strace s3  }
0xf: {  	_ =	strace $0x8FFFFFFF  }
0x10: {  	s20 =	sld [smem:$0x3FDB];
	_ =	sdelay $0x1  }
0x11: {  	s4 =	simm.s32 $_scs_section_size  }
0x12: {  	s5 =	simm.s32 $_size__tile_overlayer_lowered;
	s6 =	simm.s32 $_tile_overlayer_lowered  }
0x13: {  	s23 =	simm.s32 $0x1BFF;
	s22 =	sshll.u32 s6, $0x1;
	s3 =	sadd.s32 s4, s20  }
0x14: {  	s7 =	simm.s32 $0x0;
	s21 =	sshll.u32 s5, $0x1;
	s5 =	sadd.s32 s22, s3  }
0x15: {  	[timem:s7], [sflag:s23] =	dma.local [hbm:s5], s21  }
0x16: {  	_ =	swait.ge [sflag:s23], s21  }
0x17: {  	s4 =	ssub.s32 $0x0, s21;
	[sflag:s23] =	ssyncset.done $0x0  }
0x18: {  	[sflag:s23] =	ssyncadd.s32 s4;
	_ =	sdelay $0x1  }
0x19: {  	s24 =	simm.s32 $0x1B8B  }
0x1a: {  	_ =	swait.ge [sflag:s24], $0x1  }
0x1b: {  	[sflag:s24] =	ssyncset.done $0x0  }
0x1c: {  	s26 =	simm.s32 $0x1B8E;
	s25 =	sld [smem:$0x3FFE];
	[sflag:s24] =	ssyncadd.s32 $0xFFFFFFFF  }
0x1d: {  	s27 =	simm.s32 $execute0_lowered;
	[smem:$0x3FD2] =	sst s26  }
0x1e: {  	s5 =	sshll.u32 s27, $0x1;
	_ =	strace $0x80000046;
	[dreg:$0x1] =	wrdreg $0xFFFFFFFF  }
0x1f: {  	s28 =	simm.s32 $_size_execute0_lowered;
	s3 =	sadd.s32 s3, s5;
	[dreg:$0x0] =	wrdreg $0x0  }
0x20: {  	s5 =	sshll.u32 s28, $0x1;
	[dreg:$0x2] =	wrdreg s3  }
0x21: {  	[dreg:$0x3] =	wrdreg s5  }
0x22: {  	[dreg:$0x4] =	wrdreg $0xC0  }
0x23: {  	_ =	task [dreg:s7], $0x5FFFF  }
0x24: {  	[dreg:$0x1] =	wrdreg $0xFFFFFFFF  }
0x25: {  	[dreg:$0x0] =	wrdreg $0x60  }
0x26: {  	[dreg:$0x2] =	wrdreg s2  }
0x27: {  	[dreg:$0x3] =	wrdreg s25  }
0x28: {  	[dreg:$0x4] =	wrdreg $0x9  }
0x29: {  	_ =	task.clear_ibuf [dreg:s7], $0x5FFFF;
	_ =	strace $0x90000046  }
0x2a: {  	s29 =	simm.s32 $0x9;
	_ =	strace $0x80000048  }
0x2b: {  	_ =	swait.ge [sflag:s29], $0x1  }
0x2c: {  	[sflag:s29] =	ssyncadd.s32 $0xFFFFFFFF  }
0x2d: {  	_ =	strace $0x90000048  }
0x2e: {  	_ =	sfence  }
0x2f: {  	s30 =	sld [smem:$0x0];
	_ =	sdelay $0x2  }
0x30: {  	s31 =	sshll.u32 s1, $0xD;
	s1 =	sshrl.u32 s1, $0x2  }
0x31: {  	s3 =	sand.u32 $0x4000, s31;
	s1 =	sadd.s32 s1, s30  }
0x32: {  	s0 =	sor.u32 s3, s0;
	s1 =	sshll.u32 s1, $0x11  }
0x33: {  	s0 =	sor.u32 s1, s0  }
0x34: {  	s0 =	sadd.s32 $0x8F2B, s0  }
0x35: {  	[sflag:s0] =	ssyncadd.remote.s32 $0x1  }
0x36: {  	_ =	sfence.sel $0xFFFF  }
0x37: {  	[dreg:$0x0] =	wrdreg $0xFFFFFFFF;
	(pc) =	sbr.abs _section_cstart, $3  }
0x38: {  	[dreg:$0x1] =	wrdreg $0xFFFFFFFF  }
0x39: {  	_ =	task.clear_ibuf [dreg:s7], $0x2FFFF;
	_ =	strace $0x9FFFFFFF  }
0x3a: {  	(tm) =	ssettm $0x7FFFFFFF  }
0x3b: {  	_ =	shalt  }
tec
execute0_lowered:
.L_overlay_start_1:
0x0: {  	(tag) =	ssettag $0x1  }
0x1: {  	s2 =	rddreg [dreg:$0x0]  }
0x2: {  	s0 =	srdreg.scid;
	s6 =	rddreg [dreg:$0x1]  }
0x3: {  	s7 =	simm.s32 $0x2;
	s14 =	simm.s32 $0x0;
	s1 =	sshll.u32 s0, $0x4  }
0x4: {  	s8 =	simm.s32 $0x2000;
	s0 =	stileid.u32;
	s1 =	sand.u32 $0x10, s1  }
0x5: {  	s9 =	simm.s32 $0x64000;
	s10 =	simm.s32 $0x0;
	s3 =	sor.u32 s0, s1  }
.Ltmp0:
0x6: {  	s15 =	simm.s32 $0x0;
	s4 =	ssub.s32 $0x51, s3;
	(pc) =	sbr.rel .LBB1_1-.Ltmp0, $4  }
0x7: {  	s11 =	simm.s32 $0x0;
	s1 =	rddreg [dreg:$0x2];
	s5 =	sshrl.u32 s4, $0x5  }
0x8: {  	_ =	strace $0x80000047;
	s4 =	simm.s32 $0x1;
	s5 =	smul.u32 $0x22, s5  }
0x9: {  	s13 =	simm.s32 $0x0;
	s6 =	sadd.s32 $0x3600, s6;
	[sflag:s4] =	ssyncpa.u1 $0x0  }
0xa: {  	s12 =	smov.u32 s3;
	[sflag:s7] =	ssyncpa.u1 $0x0;
	s7 =	sor.u32 $0x1, s5  }
.LBB1_7:
0xb: {  	s16 =	sadd.s32 $0x2, s11  }
0xc: {  	s14 =	sadd.s32 $0x20, s12;
	s18 =	smov.u32 s12;
	p1 =	sgt.s32 s16, $0x43  }
0xd: {  	s18 =	smov.u32 @p1 s14  }
0xe: {  	s16 =	simm.s32 @p1 $0x0;
	p1 =	sgt.s32 s18, $0x31  }
0xf: {  	s18 =	smov.u32 @p1 s3;
	p1 =	sne.s32 s13, s7  }
.Ltmp1:
0x10: {  	p0 =	slt.u32 s13, $0x2;
	(pc) =	sbr.rel @!p1 .LBB1_8-.Ltmp1, $4  }
0x11: {  	s17 =	simm.s32 @!p0 $0x2  }
0x12: {  	s15 =	smov.u32 s12;
	s10 =	sadd.s32 $0x4000, s10;
	_ =	swait.ge @!p0 [sflag:s17], $0x4000  }
0x13: {  	s14 =	smov.u32 s11;
	[sflag:s17] =	ssyncset.done @!p0 $0x0;
	s11 =	smov.u32 s16  }
0x14: {  	s13 =	sadd.s32 $0x1, s13;
	[sflag:s17] =	ssyncadd.s32 @!p0 $0xFFFFC000;
	s12 =	smov.u32 s18  }
.LBB1_1:
0x15: {  	p0 =	sge.u32 s13, s5  }
0x16: {  	s16 =	smul.u32 @!p0 $0x11000, s12  }
0x17: {  	s31 =	sadd.s32 $0xFFFFFFFF, s13;
	s17 =	sxor.u32 @!p0 $0xFFFFFFFF, s13  }
0x18: {  	s18 =	sshll.u32 @!p0 s11, $0xA;
	s17 =	sshll.u32 @!p0 s17, $0xE;
	s16 =	sadd.s32 @!p0 s2, s16  }
0x19: {  	s17 =	sand.u32 @!p0 $0x4000, s17;
	s16 =	sadd.s32 @!p0 s18, s16;
	s18 =	simm.s32 @!p0 $0x0  }
0x1a: {  	[tilespmem:s17], [sflag:$0x1] =	stream.linear.gather @!p0 [hbm4b:s16+s18], $0x4000, $0x38;
	[tilespmem:$0x10000] =	vst v63  }
0x1b: {  	p0 =	sge.u32 s31, s5  }
.Ltmp2:
0x1c: {  	_ = 	snop;
	(pc) =	sbr.rel @p0 .LBB1_7-.Ltmp2, $1  }
0x1d: {  	_ =	sdelay $0x3  }
0x1e: {  	s16 =	sshll.u32 s10, $0x2  }
0x1f: {  	_ =	swait.ge [sflag:s4], $0x4000;
	s17 =	sshll.u32 s13, $0xE;
	s19 =	simm.s32 $0x0  }
0x20: {  	p1 =	por $0x1, $0x1;
	s16 =	sand.u32 $0x10000, s16;
	[sflag:s4] =	ssyncset.done $0x0  }
0x21: {  	s17 =	sand.u32 $0x4000, s17;
	s18 =	sshrl.u32 s16, $0x2;
	[sflag:s4] =	ssyncadd.s32 $0xFFFFC000  }
0x22: {  	s16 =	sor.u32 $0x8000, s17;
	s17 =	sadd.s32 $0x8040, s18;
	s18 =	sadd.s32 $0x40, s18  }
.LBB1_3:
0x23: {  	s19 =	sshll.u32 s19, $0x2  }
0x24: {  	s20 =	sshra.s32 s19, $0x2  }
0x25: {  	s19 =	sadd.s32 s20, s18  }
0x26: {  	v1 =	vmov s19;
	_ =	sdelay $0x3  }
0x27: {  	s19 =	simm.s32 $0x0  }
0x28: {  	s20 =	sadd.s32 s20, s17;
	v7 =	vld.idx.msk [tilespmem:v1+s19+$0x30 ss:$0x1], $0xffff  }
0x29: {  	v0 =	vmov s20;
	v8 =	vld.idx.msk [tilespmem:v1+s19+$0xFFFFFFC0 ss:$0x1], $0xffff  }
0x2a: {  	v6 =	vld.idx.msk [tilespmem:v1+s19+$0xFFFFFFD0 ss:$0x1], $0xffff  }
0x2b: {  	v5 =	vld.idx.msk [tilespmem:v1+s19+$0xFFFFFFE0 ss:$0x1], $0xffff  }
0x2c: {  	v4 =	vld.idx.msk [tilespmem:v1+s19+$0xFFFFFFF0 ss:$0x1], $0xffff  }
0x2d: {  	v2 =	vld.idx.msk [tilespmem:v1+s19+$0x0 ss:$0x1], $0xffff  }
0x2e: {  	v3 =	vld.idx.msk [tilespmem:v1+s19+$0x10 ss:$0x1], $0xffff;
	[tilespmem:v0+s19+$0x30 ss:$0x1] =	vst.idx.msk $0xffff, v7  }
0x2f: {  	p0 =	por p1, p1;
	s21 =	simm.s32 $0x400;
	s20 =	simm.s32 $0x80;
	[tilespmem:v0+s19+$0xFFFFFFC0 ss:$0x1] =	vst.idx.msk $0xffff, v8;
	v7 =	vld.idx.msk [tilespmem:v1+s19+$0x20 ss:$0x1], $0xffff  }
.LBB1_4:
0x30: {  	p1 =	sne.s32 s21, $0x7E00;
	v8 =	vld.idx.msk [tilespmem:v1+s20+$0x30 ss:$0x1], $0xffff;
	[tilespmem:v0+s19+$0xFFFFFFD0 ss:$0x1] =	vst.idx.msk $0xffff, v6  }
0x31: {  	v9 =	vld.idx.msk [tilespmem:v1+s20+$0xFFFFFFC0 ss:$0x1], $0xffff;
	[tilespmem:v0+s19+$0xFFFFFFE0 ss:$0x1] =	vst.idx.msk $0xffff, v5  }
0x32: {  	v6 =	vld.idx.msk [tilespmem:v1+s20+$0xFFFFFFD0 ss:$0x1], $0xffff;
	[tilespmem:v0+s19+$0xFFFFFFF0 ss:$0x1] =	vst.idx.msk $0xffff, v4  }
.Ltmp3:
0x33: {  	v5 =	vld.idx.msk [tilespmem:v1+s20+$0xFFFFFFE0 ss:$0x1], $0xffff;
	[tilespmem:v0+s19+$0x0 ss:$0x1] =	vst.idx.msk $0xffff, v2;
	(pc) =	sbr.rel @p1 .LBB1_4-.Ltmp3, $4  }
0x34: {  	v4 =	vld.idx.msk [tilespmem:v1+s20+$0xFFFFFFF0 ss:$0x1], $0xffff;
	[tilespmem:v0+s19+$0x10 ss:$0x1] =	vst.idx.msk $0xffff, v3  }
0x35: {  	v2 =	vld.idx.msk [tilespmem:v1+s20+$0x0 ss:$0x1], $0xffff;
	[tilespmem:v0+s19+$0x20 ss:$0x1] =	vst.idx.msk $0xffff, v7;
	s19 =	smov.u32 s20  }
0x36: {  	v3 =	vld.idx.msk [tilespmem:v1+s19+$0x10 ss:$0x1], $0xffff;
	[tilespmem:v0+s19+$0x30 ss:$0x1] =	vst.idx.msk $0xffff, v8  }
0x37: {  	s20 =	sshra.s32 s21, $0x2;
	s21 =	sadd.s32 $0x200, s21;
	[tilespmem:v0+s19+$0xFFFFFFC0 ss:$0x1] =	vst.idx.msk $0xffff, v9;
	v7 =	vld.idx.msk [tilespmem:v1+s19+$0x20 ss:$0x1], $0xffff  }
0x38: {  	_ =	sdelay $0x3  }
0x39: {  	[tilespmem:v0+s19+$0xFFFFFFD0 ss:$0x1] =	vst.idx.msk $0xffff, v6  }
0x3a: {  	v56 =	vld.idx.msk [tilespmem:v1+s20+$0x30 ss:$0x1], $0xffff;
	[tilespmem:v0+s19+$0xFFFFFFE0 ss:$0x1] =	vst.idx.msk $0xffff, v5  }
0x3b: {  	v57 =	vld.idx.msk [tilespmem:v1+s20+$0xFFFFFFC0 ss:$0x1], $0xffff;
	[tilespmem:v0+s19+$0xFFFFFFF0 ss:$0x1] =	vst.idx.msk $0xffff, v4  }
0x3c: {  	v58 =	vld.idx.msk [tilespmem:v1+s20+$0xFFFFFFD0 ss:$0x1], $0xffff;
	[tilespmem:v0+s19+$0x0 ss:$0x1] =	vst.idx.msk $0xffff, v2  }
0x3d: {  	v59 =	vld.idx.msk [tilespmem:v1+s20+$0xFFFFFFE0 ss:$0x1], $0xffff;
	[tilespmem:v0+s19+$0x10 ss:$0x1] =	vst.idx.msk $0xffff, v3  }
0x3e: {  	v60 =	vld.idx.msk [tilespmem:v1+s20+$0xFFFFFFF0 ss:$0x1], $0xffff;
	[tilespmem:v0+s19+$0x20 ss:$0x1] =	vst.idx.msk $0xffff, v7  }
0x3f: {  	v61 =	vld.idx.msk [tilespmem:v1+s20+$0x0 ss:$0x1], $0xffff;
	[tilespmem:v0+s20+$0x30 ss:$0x1] =	vst.idx.msk $0xffff, v56  }
0x40: {  	v62 =	vld.idx.msk [tilespmem:v1+s20+$0x10 ss:$0x1], $0xffff;
	[tilespmem:v0+s20+$0xFFFFFFC0 ss:$0x1] =	vst.idx.msk $0xffff, v57  }
0x41: {  	v63 =	vld.idx.msk [tilespmem:v1+s20+$0x20 ss:$0x1], $0xffff;
	[tilespmem:v0+s20+$0xFFFFFFD0 ss:$0x1] =	vst.idx.msk $0xffff, v58  }
.Ltmp4:
0x42: {  	[tilespmem:v0+s20+$0xFFFFFFE0 ss:$0x1] =	vst.idx.msk $0xffff, v59;
	(pc) =	sbr.rel @p0 .LBB1_3-.Ltmp4, $4  }
0x43: {  	[tilespmem:v0+s20+$0xFFFFFFF0 ss:$0x1] =	vst.idx.msk $0xffff, v60  }
0x44: {  	[tilespmem:v0+s20+$0x0 ss:$0x1] =	vst.idx.msk $0xffff, v61  }
0x45: {  	[tilespmem:v0+s20+$0x10 ss:$0x1] =	vst.idx.msk $0xffff, v62  }
0x46: {  	p1 =	por $0x0, $0x0;
	s19 =	simm.s32 $0x2000;
	[tilespmem:v0+s20+$0x20 ss:$0x1] =	vst.idx.msk $0xffff, v63  }
.Ltmp5:
0x47: {  	(pc) =	sbr.rel .LBB1_7-.Ltmp5, $4  }
0x48: {  	s14 =	smul.u32 $0xC800, s14;
	s15 =	sshll.u32 s15, $0xA  }
0x49: {  	s15 =	sadd.s32 s6, s15  }
0x4a: {  	s14 =	sadd.s32 s14, s15  }
0x4b: {  	[hbm4b:s14+s8] =	stream.strided.scatter [tilespmem:s16], [sflag:$0x2], $0x4000, s9, s8, $0x38;
	[tilespmem:$0x10000] =	vst v63  }
.LBB1_8:
0x4c: {  	_ =	sfence.sel $0x180000  }
0x4d: {  	s2 =	simm.s32 $0x1;
	[bflag:$0x0] =	sbarrier.arrive $0xFFFF  }
0x4e: {  	s31 =	simm.s32 $0x2;
	[sflag:s2] =	ssyncpa.u1 $0x1  }
0x4f: {  	[sflag:s31] =	ssyncpa.u1 $0x1  }
0x50: {  	p0 =	sne.s32 s0, $0x0;
	_ =	strace $0x90000047  }
0x51: {  	s0 =	sadd.s32 @!p0 $0x100000, s1;
	[bflag:$0x2] =	sbarrier.arrive $0xFFFF  }
0x52: {  	[sflag:s0] =	ssyncadd.tile.s32 @!p0 $0x1;
	_ =	shalt  }
.Lfunc_end1:
_tile_overlayer_lowered:
.L_overlay_start_2:
0x53: {  	(tag) =	ssettag $0x2  }
0x54: {  	s0 =	rddreg [dreg:$0x0];
	s2 =	stileid.u32  }
0x55: {  	s1 =	rddreg [dreg:$0x1];
	p0 =	sne.s32 s2, $0x0  }
0x56: {  	s3 =	rddreg [dreg:$0x2];
	[bflag:$0x3] =	sbarrier.arrive $0xFFFF;
	s2 =	simm.s32 @!p0 $0x1C01  }
0x57: {  	[timem:s3], [sflag:s2] =	dma.local @!p0 [hbm:s0], s1  }
0x58: {  	s0 =	simm.s32 @!p0 $0x1  }
0x59: {  	_ =	swait.ge @!p0 [sflag:s0], s1  }
0x5a: {  	s1 =	ssub.s32 @!p0 $0x0, s1;
	[sflag:s0] =	ssyncset.done @!p0 $0x0  }
0x5b: {  	[sflag:s0] =	ssyncadd.s32 @!p0 s1  }
0x5c: {  	[bflag:$0x3] =	sbarrier.arrive $0xFFFF  }
0x5d: {  	_ =	shalt  }

</sc_bundles>
